<compile_context>
chip_gen: v7x
topology: tpu7x:2x2x1
jax: 0.10.2.dev20260603
libtpu: 0.0.44.dev20260713+nightly
codegen_flags: <defaults>
</compile_context>

<pallas_src>
import jax
import jax.numpy as jnp
from jax import lax
from jax.experimental import pallas as pl
from jax.experimental.pallas import tpu as pltpu
from jax.experimental.pallas import tpu_sc as plsc

DIM = 768
DIMH = DIM // 2
E = 16
N = 2048
BM = 256
BM_SHIFT = 8
NT = N // BM
MAX_VISITS = NT + E - 1

NW = 32
ROWS_W = N // NW



def _router_body(x_ref, gw_ref, dest_ref, meta_ref, xsc_ref):
    x = x_ref[...]
    gw = gw_ref[...]
    logits = lax.dot_general(x, gw, (((1,), (1,)), ((), ())),
                             preferred_element_type=jnp.float32)
    m = jnp.max(logits, axis=1, keepdims=True)
    eids = lax.broadcasted_iota(jnp.int32, (N, E), 1)
    expert = jnp.min(jnp.where(logits == m, eids, E), axis=1, keepdims=True)
    onehot = (eids == expert).astype(jnp.bfloat16)
    ones_col = jnp.ones((N, 8), dtype=jnp.bfloat16)
    counts_c = lax.dot_general(onehot, ones_col, (((0,), (0,)), ((), ())),
                               preferred_element_type=jnp.float32)
    NB = 256
    bi = lax.broadcasted_iota(jnp.int32, (NB, NB), 0)
    bj = lax.broadcasted_iota(jnp.int32, (NB, NB), 1)
    tri = (bi > bj).astype(jnp.bfloat16)
    oh_f = onehot.astype(jnp.float32)
    rank_blocks = []
    prefix = jnp.zeros((1, E), jnp.float32)
    for b in range(N // NB):
        oh_b = onehot[b * NB:(b + 1) * NB]
        csum_b = lax.dot_general(tri, oh_b, (((1,), (0,)), ((), ())),
                                 preferred_element_type=jnp.float32)
        rank_blocks.append(jnp.sum(
            (csum_b + prefix) * oh_f[b * NB:(b + 1) * NB],
            axis=1, keepdims=True))
        prefix = prefix + jnp.sum(oh_b.astype(jnp.float32), axis=0,
                                  keepdims=True)
    rank = jnp.concatenate(rank_blocks, axis=0)
    si = lax.broadcasted_iota(jnp.int32, (E, E), 0)
    sj = lax.broadcasted_iota(jnp.int32, (E, E), 1)
    tri_le = (si >= sj).astype(jnp.float32)
    cum_c = lax.dot_general(tri_le, counts_c, (((1,), (0,)), ((), ())),
                            preferred_element_type=jnp.float32)
    counts_i = counts_c[:, 0:1].astype(jnp.int32)
    ends_i = cum_c[:, 0:1].astype(jnp.int32)
    starts_i = ends_i - counts_i
    counts_lane = lax.dot_general(
        jnp.ones((8, N), jnp.bfloat16), onehot, (((1,), (0,)), ((), ())),
        preferred_element_type=jnp.float32)[0:1]
    tri_lt = (si < sj).astype(jnp.float32)
    starts_lane = lax.dot_general(counts_lane, tri_lt,
                                  (((1,), (0,)), ((), ())),
                                  preferred_element_type=jnp.float32)
    starts_row = jnp.sum(jnp.where(eids == expert, starts_lane, 0.0),
                         axis=1, keepdims=True)
    dest_ref[...] = (rank + starts_row).astype(jnp.int32)
    zb = (x * jax.nn.sigmoid(m)).astype(jnp.bfloat16)
    lo32 = lax.convert_element_type(
        lax.bitcast_convert_type(zb[:, :DIMH], jnp.uint16), jnp.uint32)
    hi32 = lax.convert_element_type(
        lax.bitcast_convert_type(zb[:, DIMH:], jnp.uint16), jnp.uint32)
    xsc_ref[...] = lax.bitcast_convert_type(
        jnp.bitwise_or(lax.shift_left(hi32, jnp.uint32(16)), lo32), jnp.int32)

    t0 = lax.shift_right_logical(starts_i, BM_SHIFT)
    t1 = lax.shift_right_logical(ends_i + (BM - 1), BM_SHIFT)
    ntiles = jnp.where(counts_i > 0, t1 - t0, 0)
    cum_nt = lax.dot_general(
        tri_le, ntiles.astype(jnp.float32), (((1,), (0,)), ((), ())),
        preferred_element_type=jnp.float32).astype(jnp.int32)
    offs = cum_nt - ntiles
    total = jnp.max(cum_nt)
    vi = lax.broadcasted_iota(jnp.int32, (1, MAX_VISITS), 1)
    e_of = jnp.minimum(
        jnp.sum((cum_nt <= vi).astype(jnp.int32), axis=0, keepdims=True),
        E - 1)
    sel = (lax.broadcasted_iota(jnp.int32, (E, MAX_VISITS), 0) == e_of)
    def pick(col):
        return jnp.sum(jnp.where(sel, col, 0), axis=0, keepdims=True)
    t0_s = pick(t0)
    offs_s = pick(offs)
    starts_s = pick(starts_i)
    ends_s = pick(ends_i)
    valid = vi < total
    tile = jnp.where(valid, t0_s + vi - offs_s, NT - 1)
    lo = jnp.where(valid, jnp.maximum(starts_s, tile * BM), 0)
    hi = jnp.where(valid, jnp.minimum(ends_s, (tile + 1) * BM), 0)
    first = (lo == tile * BM).astype(jnp.int32)
    expv = jnp.where(valid, e_of, 0)
    meta_ref[...] = jnp.zeros((8, 128), jnp.int32)
    meta_ref[0:1, 0:MAX_VISITS] = tile
    meta_ref[1:2, 0:MAX_VISITS] = expv
    meta_ref[2:3, 0:MAX_VISITS] = lo
    meta_ref[3:4, 0:MAX_VISITS] = hi
    meta_ref[4:5, 0:MAX_VISITS] = first


def _router(x2d, gate_w):
    return pl.pallas_call(
        _router_body,
        out_shape=(
            jax.ShapeDtypeStruct((N, 1), jnp.int32),
            jax.ShapeDtypeStruct((8, 128), jnp.int32),
            jax.ShapeDtypeStruct((N, DIMH), jnp.int32),
        ),
    )(x2d, gate_w)



def _dispatch_body(xw_hbm, dest_hbm, xs_hbm, idx_v, rows_v, sem):
    wid = lax.axis_index("s") * 2 + lax.axis_index("c")
    base = wid * ROWS_W
    pltpu.sync_copy(dest_hbm.at[pl.ds(base, ROWS_W)], idx_v)
    pltpu.sync_copy(xw_hbm.at[pl.ds(base, ROWS_W)], rows_v)
    pltpu.async_copy(rows_v, xs_hbm.at[idx_v], sem).wait()


def _dispatch(xw, dest):
    mesh = plsc.VectorSubcoreMesh(core_axis_name="c", subcore_axis_name="s")
    return pl.kernel(
        _dispatch_body,
        out_type=jax.ShapeDtypeStruct((N, DIMH), jnp.int32),
        mesh=mesh,
        scratch_types=[
            pltpu.VMEM((ROWS_W,), jnp.int32),
            pltpu.VMEM((ROWS_W, DIMH), jnp.int32),
            pltpu.SemaphoreType.DMA,
        ],
    )(xw, dest)



def _gmm_body(meta_r, xs_ref, w1_ref, w3_ref, w2_ref, out_ref):
    i = pl.program_id(0)
    lo = meta_r[2, i]
    hi = meta_r[3, i]
    tile = meta_r[0, i]
    rows = tile * BM + lax.broadcasted_iota(jnp.int32, (BM, 1), 0)
    mask = (rows >= lo) & (rows < hi)
    wu = lax.bitcast_convert_type(xs_ref[...], jnp.uint32)
    lo_bf = lax.bitcast_convert_type(
        lax.convert_element_type(
            jnp.bitwise_and(wu, jnp.uint32(0xFFFF)), jnp.uint16),
        jnp.bfloat16)
    hi_bf = lax.bitcast_convert_type(
        lax.convert_element_type(
            lax.shift_right_logical(wu, jnp.uint32(16)), jnp.uint16),
        jnp.bfloat16)
    xb = jnp.where(mask, jnp.concatenate([lo_bf, hi_bf], axis=1),
                   jnp.bfloat16(0))
    dn = (((1,), (1,)), ((), ()))
    z1 = lax.dot_general(xb, w1_ref[0].astype(jnp.bfloat16), dn,
                         preferred_element_type=jnp.float32).astype(jnp.bfloat16)
    z3 = lax.dot_general(xb, w3_ref[0].astype(jnp.bfloat16), dn,
                         preferred_element_type=jnp.float32).astype(jnp.bfloat16)
    h = (z1 * jax.nn.sigmoid(z1)) * z3
    o = lax.dot_general(h, w2_ref[0].astype(jnp.bfloat16), dn,
                        preferred_element_type=jnp.float32)
    o = o.astype(jnp.bfloat16).astype(jnp.float32)

    @pl.when(meta_r[4, i] == 1)
    def _():
        out_ref[...] = o

    @pl.when(meta_r[4, i] == 0)
    def _():
        out_ref[...] = out_ref[...] + o


def _gmm(xs, w1b, w3b, w2b, meta):
    grid_spec = pltpu.PrefetchScalarGridSpec(
        num_scalar_prefetch=1,
        grid=(MAX_VISITS,),
        in_specs=[
            pl.BlockSpec((BM, DIMH), lambda i, m: (m[0, i], 0)),
            pl.BlockSpec((1, DIM, DIM), lambda i, m: (m[1, i], 0, 0)),
            pl.BlockSpec((1, DIM, DIM), lambda i, m: (m[1, i], 0, 0)),
            pl.BlockSpec((1, DIM, DIM), lambda i, m: (m[1, i], 0, 0)),
        ],
        out_specs=pl.BlockSpec((BM, DIM), lambda i, m: (m[0, i], 0)),
    )
    return pl.pallas_call(
        _gmm_body,
        grid_spec=grid_spec,
        out_shape=jax.ShapeDtypeStruct((N, DIM), jnp.float32),
        compiler_params=pltpu.CompilerParams(
            dimension_semantics=("arbitrary",)),
    )(meta, xs, w1b, w3b, w2b)



def _combine_body(y_hbm, dest_hbm, out_hbm, idx_v, rows_v, sem):
    wid = lax.axis_index("s") * 2 + lax.axis_index("c")
    base = wid * ROWS_W
    pltpu.sync_copy(dest_hbm.at[pl.ds(base, ROWS_W)], idx_v)
    pltpu.async_copy(y_hbm.at[idx_v], rows_v, sem).wait()
    pltpu.sync_copy(rows_v, out_hbm.at[pl.ds(base, ROWS_W)])


def _combine(yw, dest):
    mesh = plsc.VectorSubcoreMesh(core_axis_name="c", subcore_axis_name="s")
    return pl.kernel(
        _combine_body,
        out_type=jax.ShapeDtypeStruct((N, DIM), jnp.float32),
        mesh=mesh,
        scratch_types=[
            pltpu.VMEM((ROWS_W,), jnp.int32),
            pltpu.VMEM((ROWS_W, DIM), jnp.float32),
            pltpu.SemaphoreType.DMA,
        ],
    )(yw, dest)



@jax.jit
def kernel(x, gate_w, w1, w2, w3):
    bs, slen, dim = x.shape
    x2d = x.reshape(N, DIM)

    dest2d, meta, xsc = _router(x2d, gate_w)
    dest = dest2d.reshape(N)

    xs = _dispatch(xsc, dest)
    y = _gmm(xs, w1, w3, w2, meta)

    out = _combine(y, dest)
    return out.reshape(bs, slen, dim)

# --- scband reference (transcript-rebuilt; emitter-appended) ---
"""Pipeline reference for scband-mo-e-43035572306003 (READ-ONLY COPY).

The authoritative reference and input builder live on the scoring server;
editing this copy changes nothing except your own understanding.
"""

import jax, jax.numpy as jnp
import numpy as np

DIM = 768
HIDDEN = 768
E = 16
TOPK = 1
BS = 1
SLEN = 2048


def setup_inputs(seed: int = 0) -> dict:
    key = jax.random.key(seed)
    k1, k2, k3, k4, k5 = jax.random.split(key, 5)
    x = jax.random.normal(k1, (BS, SLEN, DIM), dtype=jnp.float32)
    gate_w = jax.random.normal(k2, (E, DIM), dtype=jnp.float32) * 0.02  # nn.Linear(dim, E).weight
    w1 = jax.random.normal(k3, (E, HIDDEN, DIM), dtype=jnp.float32) * 0.02
    w2 = jax.random.normal(k4, (E, DIM, HIDDEN), dtype=jnp.float32) * 0.02
    w3 = jax.random.normal(k5, (E, HIDDEN, DIM), dtype=jnp.float32) * 0.02
    return {"x": x, "gate_w": gate_w, "w1": w1, "w2": w2, "w3": w3}


def _grouped_mm(x, w, seg):
    # x: [m, k], w: [g, n, k] (per-expert x @ w[g].T), seg: int [m] expert id per row
    # emulate torch._grouped_mm(x, w.transpose(-2,-1), offs=cumsum(counts)) on
    # expert-sorted tokens via dense per-group matmul + per-row selection.
    all_out = jnp.einsum('mk,gnk->mgn', x, w)  # [m, g, n]
    sel = jnp.take_along_axis(all_out, seg[:, None, None], axis=1)  # [m, 1, n]
    return sel[:, 0, :]


def reference(x, gate_w, w1, w2, w3):
    bs, slen, dim = x.shape
    xf = x.reshape(-1, dim)  # [N, dim]
    # --- TokenChoiceTopKRouter ---
    scores = jax.nn.sigmoid((xf @ gate_w.T).astype(jnp.float32))  # [N, E]
    top_scores, selected_experts_indices = jax.lax.top_k(scores, TOPK)  # [N, k]
    # --- TokenReorderer ---
    sel_flat = selected_experts_indices.reshape(-1)  # [N*k]
    num_tokens_per_expert = jnp.bincount(sel_flat, length=E)  # == torch.histc
    token_indices_experts_sorted = jnp.argsort(sel_flat)  # stable argsort
    top_scores_experts_sorted = top_scores.reshape(-1)[token_indices_experts_sorted]
    seg_sorted = sel_flat[token_indices_experts_sorted]  # expert id per sorted routed token
    # --- dispatch ---
    routed_input = xf[token_indices_experts_sorted // TOPK]
    routed_input = (routed_input.astype(jnp.float32) * top_scores_experts_sorted[:, None]).astype(x.dtype)
    # --- GroupedExperts (bf16 grouped mm, SwiGLU) ---
    xb = routed_input.astype(jnp.bfloat16)
    h = jax.nn.silu(_grouped_mm(xb, w1.astype(jnp.bfloat16), seg_sorted))
    h = h * _grouped_mm(xb, w3.astype(jnp.bfloat16), seg_sorted)
    routed_output = _grouped_mm(h, w2.astype(jnp.bfloat16), seg_sorted).astype(routed_input.dtype)
    # --- combine (scatter-overwrite then top_k sum) ---
    routed_output_unsorted = jnp.zeros((bs * slen * TOPK, dim), dtype=routed_output.dtype)
    routed_output_unsorted = routed_output_unsorted.at[token_indices_experts_sorted].set(routed_output)
    routed_output_unsorted = routed_output_unsorted.reshape(-1, TOPK, dim)
    out_experts = routed_output_unsorted.sum(axis=1)
    return out_experts.reshape(bs, slen, dim)

if __name__ == "__main__":
    import jax
    _d = setup_inputs()
    print(jax.jit(kernel)(*tuple(_d.values())))

</pallas_src>

<mosaic_0001>
#map = affine_map<(d0, d1) -> (0, 0)>
#map1 = affine_map<(d0, d1) -> (0)>
module attributes {stable_mosaic.version = 14 : i64} {
  func.func @_dispatch_body(%arg0: i32, %arg1: i32, %arg2: memref<2048x384xi32, #tpu.memory_space<hbm>>, %arg3: memref<2048xi32, #tpu.memory_space<hbm>>, %arg4: memref<2048x384xi32, #tpu.memory_space<hbm>>, %arg5: memref<64xi32, #tpu.memory_space<vmem>>, %arg6: memref<64x384xi32, #tpu.memory_space<vmem>>, %arg7: memref<!tpu.dma_semaphore, #tpu.memory_space<semaphore_mem>>) attributes {dimension_semantics = [#tpu.dimension_semantics<core_parallel>, #tpu.dimension_semantics<subcore_parallel>], iteration_bounds = array<i64: 2, 16>, scalar_prefetch = 0 : i64, scratch_operands = 3 : i64, tpu.core_type = #tpu.core_type<sc_vector_subcore>, window_params = [{transform_indices = #map}, {transform_indices = #map1}, {transform_indices = #map}]} {
    %mul3A = arith.constant 2 : i32
    %mul3A_0 = arith.muli %arg1, %mul3A : i32
    %add3A = arith.addi %mul3A_0, %arg0 : i32
    %mul3A_1 = arith.constant 64 : i32
    %mul3A_2 = arith.muli %add3A, %mul3A_1 : i32
    "tpu.region"() ({
      %run_scoped3A = tpu.sem_alloc : memref<!tpu.dma_semaphore, #tpu.memory_space<semaphore_mem>>
      %dma_start3A_7 = tpu.memref_slice %arg3[%mul3A_2] : memref<2048xi32, #tpu.memory_space<hbm>> -> memref<64xi32, #tpu.memory_space<hbm>>
      %dma_start3A_8 = tpu.memref_slice %arg3[%mul3A_2] : memref<2048xi32, #tpu.memory_space<hbm>> -> memref<64xi32, #tpu.memory_space<hbm>>
      tpu.enqueue_dma source(%dma_start3A_8 : memref<64xi32, #tpu.memory_space<hbm>>) target(%arg5 : memref<64xi32, #tpu.memory_space<vmem>>) target_semaphore(%run_scoped3A : memref<!tpu.dma_semaphore, #tpu.memory_space<semaphore_mem>>)
      %dma_wait3A_9 = tpu.memref_slice %arg3[%mul3A_2] : memref<2048xi32, #tpu.memory_space<hbm>> -> memref<64xi32, #tpu.memory_space<hbm>>
      %dma_wait3A_10 = tpu.memref_slice %arg3[%mul3A_2] : memref<2048xi32, #tpu.memory_space<hbm>> -> memref<64xi32, #tpu.memory_space<hbm>>
      tpu.wait_dma2 semaphore(%run_scoped3A : memref<!tpu.dma_semaphore, #tpu.memory_space<semaphore_mem>>) src(%dma_wait3A_10 : memref<64xi32, #tpu.memory_space<hbm>>) dst(%arg5 : memref<64xi32, #tpu.memory_space<vmem>>)
      tpu.yield
    }) : () -> ()
    "tpu.region"() ({
      %run_scoped3A = tpu.sem_alloc : memref<!tpu.dma_semaphore, #tpu.memory_space<semaphore_mem>>
      %dma_start3A_7 = arith.constant 0 : i32
      %dma_start3A_8 = tpu.memref_slice %arg2[%mul3A_2, %dma_start3A_7] : memref<2048x384xi32, #tpu.memory_space<hbm>> -> memref<64x384xi32, #tpu.memory_space<hbm>>
      %dma_start3A_9 = arith.constant 0 : i32
      %dma_start3A_10 = tpu.memref_slice %arg2[%mul3A_2, %dma_start3A_9] : memref<2048x384xi32, #tpu.memory_space<hbm>> -> memref<64x384xi32, #tpu.memory_space<hbm>>
      tpu.enqueue_dma source(%dma_start3A_10 : memref<64x384xi32, #tpu.memory_space<hbm>>) target(%arg6 : memref<64x384xi32, #tpu.memory_space<vmem>>) target_semaphore(%run_scoped3A : memref<!tpu.dma_semaphore, #tpu.memory_space<semaphore_mem>>)
      %dma_wait3A_11 = arith.constant 0 : i32
      %dma_wait3A_12 = tpu.memref_slice %arg2[%mul3A_2, %dma_wait3A_11] : memref<2048x384xi32, #tpu.memory_space<hbm>> -> memref<64x384xi32, #tpu.memory_space<hbm>>
      %dma_wait3A_13 = arith.constant 0 : i32
      %dma_wait3A_14 = tpu.memref_slice %arg2[%mul3A_2, %dma_wait3A_13] : memref<2048x384xi32, #tpu.memory_space<hbm>> -> memref<64x384xi32, #tpu.memory_space<hbm>>
      tpu.wait_dma2 semaphore(%run_scoped3A : memref<!tpu.dma_semaphore, #tpu.memory_space<semaphore_mem>>) src(%dma_wait3A_14 : memref<64x384xi32, #tpu.memory_space<hbm>>) dst(%arg6 : memref<64x384xi32, #tpu.memory_space<vmem>>)
      tpu.yield
    }) : () -> ()
    %dma_start3A = arith.constant 0 : i32
    %dma_start3A_3 = arith.constant 0 : i32
    %dma_start3A_4 = tpu.memref_slice %arg4[%dma_start3A, %dma_start3A_3] : memref<2048x384xi32, #tpu.memory_space<hbm>> -> memref<2048x384xi32, #tpu.memory_space<hbm>>
    tpu.enqueue_indirect_dma source(%arg6 : memref<64x384xi32, #tpu.memory_space<vmem>>) target(%dma_start3A_4 : memref<2048x384xi32, #tpu.memory_space<hbm>>) offsets(%arg5 : memref<64xi32, #tpu.memory_space<vmem>>) semaphore(%arg7 : memref<!tpu.dma_semaphore, #tpu.memory_space<semaphore_mem>>)
    %dma_wait3A = arith.constant 0 : i32
    %dma_wait3A_5 = arith.constant 0 : i32
    %dma_wait3A_6 = tpu.memref_slice %arg4[%dma_wait3A, %dma_wait3A_5] : memref<2048x384xi32, #tpu.memory_space<hbm>> -> memref<2048x384xi32, #tpu.memory_space<hbm>>
    tpu.wait_indirect_dma semaphore(%arg7 : memref<!tpu.dma_semaphore, #tpu.memory_space<semaphore_mem>>) src(%arg6 : memref<64x384xi32, #tpu.memory_space<vmem>>) dst(%dma_wait3A_6 : memref<2048x384xi32, #tpu.memory_space<hbm>>)
    return
  }
}

#map = affine_map<(d0, d1) -> (0, 0)>
#map1 = affine_map<(d0, d1) -> (0)>
module attributes {stable_mosaic.version = 14 : i64} {
  func.func @_combine_body(%arg0: i32, %arg1: i32, %arg2: memref<2048x768xf32, #tpu.memory_space<hbm>>, %arg3: memref<2048xi32, #tpu.memory_space<hbm>>, %arg4: memref<2048x768xf32, #tpu.memory_space<hbm>>, %arg5: memref<64xi32, #tpu.memory_space<vmem>>, %arg6: memref<64x768xf32, #tpu.memory_space<vmem>>, %arg7: memref<!tpu.dma_semaphore, #tpu.memory_space<semaphore_mem>>) attributes {dimension_semantics = [#tpu.dimension_semantics<core_parallel>, #tpu.dimension_semantics<subcore_parallel>], iteration_bounds = array<i64: 2, 16>, scalar_prefetch = 0 : i64, scratch_operands = 3 : i64, tpu.core_type = #tpu.core_type<sc_vector_subcore>, window_params = [{transform_indices = #map}, {transform_indices = #map1}, {transform_indices = #map}]} {
    %mul3A = arith.constant 2 : i32
    %mul3A_0 = arith.muli %arg1, %mul3A : i32
    %add3A = arith.addi %mul3A_0, %arg0 : i32
    %mul3A_1 = arith.constant 64 : i32
    %mul3A_2 = arith.muli %add3A, %mul3A_1 : i32
    "tpu.region"() ({
      %run_scoped3A = tpu.sem_alloc : memref<!tpu.dma_semaphore, #tpu.memory_space<semaphore_mem>>
      %dma_start3A_7 = tpu.memref_slice %arg3[%mul3A_2] : memref<2048xi32, #tpu.memory_space<hbm>> -> memref<64xi32, #tpu.memory_space<hbm>>
      %dma_start3A_8 = tpu.memref_slice %arg3[%mul3A_2] : memref<2048xi32, #tpu.memory_space<hbm>> -> memref<64xi32, #tpu.memory_space<hbm>>
      tpu.enqueue_dma source(%dma_start3A_8 : memref<64xi32, #tpu.memory_space<hbm>>) target(%arg5 : memref<64xi32, #tpu.memory_space<vmem>>) target_semaphore(%run_scoped3A : memref<!tpu.dma_semaphore, #tpu.memory_space<semaphore_mem>>)
      %dma_wait3A_9 = tpu.memref_slice %arg3[%mul3A_2] : memref<2048xi32, #tpu.memory_space<hbm>> -> memref<64xi32, #tpu.memory_space<hbm>>
      %dma_wait3A_10 = tpu.memref_slice %arg3[%mul3A_2] : memref<2048xi32, #tpu.memory_space<hbm>> -> memref<64xi32, #tpu.memory_space<hbm>>
      tpu.wait_dma2 semaphore(%run_scoped3A : memref<!tpu.dma_semaphore, #tpu.memory_space<semaphore_mem>>) src(%dma_wait3A_10 : memref<64xi32, #tpu.memory_space<hbm>>) dst(%arg5 : memref<64xi32, #tpu.memory_space<vmem>>)
      tpu.yield
    }) : () -> ()
    %dma_start3A = arith.constant 0 : i32
    %dma_start3A_3 = arith.constant 0 : i32
    %dma_start3A_4 = tpu.memref_slice %arg2[%dma_start3A, %dma_start3A_3] : memref<2048x768xf32, #tpu.memory_space<hbm>> -> memref<2048x768xf32, #tpu.memory_space<hbm>>
    tpu.enqueue_indirect_dma source(%dma_start3A_4 : memref<2048x768xf32, #tpu.memory_space<hbm>>) target(%arg6 : memref<64x768xf32, #tpu.memory_space<vmem>>) offsets(%arg5 : memref<64xi32, #tpu.memory_space<vmem>>) semaphore(%arg7 : memref<!tpu.dma_semaphore, #tpu.memory_space<semaphore_mem>>)
    %dma_wait3A = arith.constant 0 : i32
    %dma_wait3A_5 = arith.constant 0 : i32
    %dma_wait3A_6 = tpu.memref_slice %arg2[%dma_wait3A, %dma_wait3A_5] : memref<2048x768xf32, #tpu.memory_space<hbm>> -> memref<2048x768xf32, #tpu.memory_space<hbm>>
    tpu.wait_indirect_dma semaphore(%arg7 : memref<!tpu.dma_semaphore, #tpu.memory_space<semaphore_mem>>) src(%dma_wait3A_6 : memref<2048x768xf32, #tpu.memory_space<hbm>>) dst(%arg6 : memref<64x768xf32, #tpu.memory_space<vmem>>)
    "tpu.region"() ({
      %run_scoped3A = tpu.sem_alloc : memref<!tpu.dma_semaphore, #tpu.memory_space<semaphore_mem>>
      %dma_start3A_7 = arith.constant 0 : i32
      %dma_start3A_8 = tpu.memref_slice %arg4[%mul3A_2, %dma_start3A_7] : memref<2048x768xf32, #tpu.memory_space<hbm>> -> memref<64x768xf32, #tpu.memory_space<hbm>>
      %dma_start3A_9 = arith.constant 0 : i32
      %dma_start3A_10 = tpu.memref_slice %arg4[%mul3A_2, %dma_start3A_9] : memref<2048x768xf32, #tpu.memory_space<hbm>> -> memref<64x768xf32, #tpu.memory_space<hbm>>
      tpu.enqueue_dma source(%arg6 : memref<64x768xf32, #tpu.memory_space<vmem>>) target(%dma_start3A_10 : memref<64x768xf32, #tpu.memory_space<hbm>>) target_semaphore(%run_scoped3A : memref<!tpu.dma_semaphore, #tpu.memory_space<semaphore_mem>>)
      %dma_wait3A_11 = arith.constant 0 : i32
      %dma_wait3A_12 = tpu.memref_slice %arg4[%mul3A_2, %dma_wait3A_11] : memref<2048x768xf32, #tpu.memory_space<hbm>> -> memref<64x768xf32, #tpu.memory_space<hbm>>
      %dma_wait3A_13 = arith.constant 0 : i32
      %dma_wait3A_14 = tpu.memref_slice %arg4[%mul3A_2, %dma_wait3A_13] : memref<2048x768xf32, #tpu.memory_space<hbm>> -> memref<64x768xf32, #tpu.memory_space<hbm>>
      tpu.wait_dma2 semaphore(%run_scoped3A : memref<!tpu.dma_semaphore, #tpu.memory_space<semaphore_mem>>) src(%arg6 : memref<64x768xf32, #tpu.memory_space<vmem>>) dst(%dma_wait3A_14 : memref<64x768xf32, #tpu.memory_space<hbm>>)
      tpu.yield
    }) : () -> ()
    return
  }
}

module attributes {stable_mosaic.version = 14 : i64} {
  func.func @_gmm_body(%arg0: i32, %arg1: memref<8x128xi32, #tpu.memory_space<smem>>, %arg2: memref<256x384xi32, #tpu.memory_space<vmem>>, %arg3: memref<1x768x768xf32, #tpu.memory_space<vmem>>, %arg4: memref<1x768x768xf32, #tpu.memory_space<vmem>>, %arg5: memref<1x768x768xf32, #tpu.memory_space<vmem>>, %arg6: memref<256x768xf32, #tpu.memory_space<vmem>>) attributes {dimension_semantics = [#tpu.dimension_semantics<arbitrary>], iteration_bounds = array<i64: 23>, scalar_prefetch = 1 : i64, scratch_operands = 0 : i64, tpu.core_type = #tpu.core_type<tc>, window_params = [{transform_indices = @transform_0, window_bounds = array<i64: 256, 384>}, {transform_indices = @transform_1, window_bounds = array<i64: 1, 768, 768>}, {transform_indices = @transform_2, window_bounds = array<i64: 1, 768, 768>}, {transform_indices = @transform_3, window_bounds = array<i64: 1, 768, 768>}, {transform_indices = @transform_4, window_bounds = array<i64: 256, 768>}]} {
    %get3A = arith.constant 2 : index
    %get3A_0 = arith.index_cast %arg0 : i32 to index
    %get3A_1 = memref.load %arg1[%get3A, %get3A_0] : memref<8x128xi32, #tpu.memory_space<smem>>
    %get3A_2 = arith.constant 3 : index
    %get3A_3 = arith.index_cast %arg0 : i32 to index
    %get3A_4 = memref.load %arg1[%get3A_2, %get3A_3] : memref<8x128xi32, #tpu.memory_space<smem>>
    %get3A_5 = arith.constant 0 : index
    %get3A_6 = arith.index_cast %arg0 : i32 to index
    %get3A_7 = memref.load %arg1[%get3A_5, %get3A_6] : memref<8x128xi32, #tpu.memory_space<smem>>
    %mul3A = arith.constant 256 : i32
    %mul3A_8 = arith.muli %get3A_7, %mul3A : i32
    %iota3A = tpu.iota {dimensions = array<i32: 0>} : vector<256x1xi32>
    %add3A = vector.broadcast %mul3A_8 : i32 to vector<256x1xi32>
    %add3A_9 = arith.addi %add3A, %iota3A : vector<256x1xi32>
    %ge3A = vector.broadcast %get3A_1 : i32 to vector<256x1xi32>
    %ge3A_10 = arith.cmpi sge, %add3A_9, %ge3A : vector<256x1xi32>
    %lt3A = vector.broadcast %get3A_4 : i32 to vector<256x1xi32>
    %lt3A_11 = arith.cmpi slt, %add3A_9, %lt3A : vector<256x1xi32>
    %and3A = arith.andi %ge3A_10, %lt3A_11 : vector<256x1xi1>
    %get3A_12 = arith.constant 0 : index
    %get3A_13 = arith.constant 0 : index
    %get3A_14 = vector.load %arg2[%get3A_12, %get3A_13] : memref<256x384xi32, #tpu.memory_space<vmem>>, vector<256x384xi32>
    %bitcast_convert_type3A = tpu.bitcast %get3A_14 : vector<256x384xi32> -> vector<256x384xi32>
    %and3A_15 = arith.constant 65535 : i32
    %and3A_16 = vector.broadcast %and3A_15 : i32 to vector<256x384xi32>
    %and3A_17 = arith.andi %bitcast_convert_type3A, %and3A_16 : vector<256x384xi32>
    %convert_element_type3A = arith.trunci %and3A_17 : vector<256x384xi32> to vector<256x384xi16>
    %bitcast_convert_type3A_18 = tpu.bitcast %convert_element_type3A : vector<256x384xi16> -> vector<256x384xbf16>
    %shift_right_logical3A = arith.constant 16 : i32
    %shift_right_logical3A_19 = vector.broadcast %shift_right_logical3A : i32 to vector<256x384xi32>
    %shift_right_logical3A_20 = arith.shrui %bitcast_convert_type3A, %shift_right_logical3A_19 : vector<256x384xi32>
    %convert_element_type3A_21 = arith.trunci %shift_right_logical3A_20 : vector<256x384xi32> to vector<256x384xi16>
    %bitcast_convert_type3A_22 = tpu.bitcast %convert_element_type3A_21 : vector<256x384xi16> -> vector<256x384xbf16>
    %concatenate3A = tpu.concatenate %bitcast_convert_type3A_18, %bitcast_convert_type3A_22 in 1 : vector<256x384xbf16>, vector<256x384xbf16> -> vector<256x768xbf16>
    %jit3A = arith.constant 0.000000e+00 : bf16
    %broadcast_in_dim3A = vector.shape_cast %and3A : vector<256x1xi1> to vector<256x1xi1>
    %broadcast_in_dim3A_23 = vector.broadcast %broadcast_in_dim3A : vector<256x1xi1> to vector<256x768xi1>
    %broadcast_in_dim3A_24 = vector.broadcast %jit3A : bf16 to vector<256x768xbf16>
    %select_n3A = arith.select %broadcast_in_dim3A_23, %concatenate3A, %broadcast_in_dim3A_24 : vector<256x768xi1>, vector<256x768xbf16>
    %get3A_25 = arith.constant 0 : index
    %get3A_26 = arith.constant 0 : index
    %get3A_27 = arith.constant 0 : index
    %get3A_28 = vector.load %arg3[%get3A_25, %get3A_26, %get3A_27] : memref<1x768x768xf32, #tpu.memory_space<vmem>>, vector<1x768x768xf32>
    %get3A_29 = vector.shape_cast %get3A_28 : vector<1x768x768xf32> to vector<768x768xf32>
    %convert_element_type3A_30 = arith.truncf %get3A_29 : vector<768x768xf32> to vector<768x768xbf16>
    %dot_general3A = arith.constant dense<0.000000e+00> : vector<256x768xf32>
    %dot_general3A_31 = tpu.matmul %select_n3A, %convert_element_type3A_30, %dot_general3A {dimension_numbers = #tpu.dot_dimension_numbers<[1], [1], [0], [0], [0, 0, 1, 0], [], []>, transpose_lhs_hint = false} : vector<256x768xbf16>, vector<768x768xbf16>, vector<256x768xf32> -> vector<256x768xf32>
    %convert_element_type3A_32 = arith.truncf %dot_general3A_31 : vector<256x768xf32> to vector<256x768xbf16>
    %get3A_33 = arith.constant 0 : index
    %get3A_34 = arith.constant 0 : index
    %get3A_35 = arith.constant 0 : index
    %get3A_36 = vector.load %arg4[%get3A_33, %get3A_34, %get3A_35] : memref<1x768x768xf32, #tpu.memory_space<vmem>>, vector<1x768x768xf32>
    %get3A_37 = vector.shape_cast %get3A_36 : vector<1x768x768xf32> to vector<768x768xf32>
    %convert_element_type3A_38 = arith.truncf %get3A_37 : vector<768x768xf32> to vector<768x768xbf16>
    %dot_general3A_39 = arith.constant dense<0.000000e+00> : vector<256x768xf32>
    %dot_general3A_40 = tpu.matmul %select_n3A, %convert_element_type3A_38, %dot_general3A_39 {dimension_numbers = #tpu.dot_dimension_numbers<[1], [1], [0], [0], [0, 0, 1, 0], [], []>, transpose_lhs_hint = false} : vector<256x768xbf16>, vector<768x768xbf16>, vector<256x768xf32> -> vector<256x768xf32>
    %convert_element_type3A_41 = arith.truncf %dot_general3A_40 : vector<256x768xf32> to vector<256x768xbf16>
    %logistic3A = arith.negf %convert_element_type3A_32 : vector<256x768xbf16>
    %logistic3A_42 = math.exp %logistic3A : vector<256x768xbf16>
    %logistic3A_43 = arith.constant 1.000000e+00 : bf16
    %logistic3A_44 = vector.broadcast %logistic3A_43 : bf16 to vector<256x768xbf16>
    %logistic3A_45 = arith.addf %logistic3A_44, %logistic3A_42 : vector<256x768xbf16>
    %logistic3A_46 = arith.divf %logistic3A_44, %logistic3A_45 : vector<256x768xbf16>
    %mul3A_47 = arith.mulf %convert_element_type3A_32, %logistic3A_46 : vector<256x768xbf16>
    %mul3A_48 = arith.mulf %mul3A_47, %convert_element_type3A_41 : vector<256x768xbf16>
    %get3A_49 = arith.constant 0 : index
    %get3A_50 = arith.constant 0 : index
    %get3A_51 = arith.constant 0 : index
    %get3A_52 = vector.load %arg5[%get3A_49, %get3A_50, %get3A_51] : memref<1x768x768xf32, #tpu.memory_space<vmem>>, vector<1x768x768xf32>
    %get3A_53 = vector.shape_cast %get3A_52 : vector<1x768x768xf32> to vector<768x768xf32>
    %convert_element_type3A_54 = arith.truncf %get3A_53 : vector<768x768xf32> to vector<768x768xbf16>
    %dot_general3A_55 = arith.constant dense<0.000000e+00> : vector<256x768xf32>
    %dot_general3A_56 = tpu.matmul %mul3A_48, %convert_element_type3A_54, %dot_general3A_55 {dimension_numbers = #tpu.dot_dimension_numbers<[1], [1], [0], [0], [0, 0, 1, 0], [], []>, transpose_lhs_hint = false} : vector<256x768xbf16>, vector<768x768xbf16>, vector<256x768xf32> -> vector<256x768xf32>
    %convert_element_type3A_57 = arith.truncf %dot_general3A_56 : vector<256x768xf32> to vector<256x768xbf16>
    %convert_element_type3A_58 = arith.extf %convert_element_type3A_57 : vector<256x768xbf16> to vector<256x768xf32>
    %get3A_59 = arith.constant 4 : index
    %get3A_60 = arith.index_cast %arg0 : i32 to index
    %get3A_61 = memref.load %arg1[%get3A_59, %get3A_60] : memref<8x128xi32, #tpu.memory_space<smem>>
    %eq3A = arith.constant 1 : i32
    %eq3A_62 = arith.cmpi eq, %get3A_61, %eq3A : i32
    %convert_element_type3A_63 = arith.extui %eq3A_62 : i1 to i32
    %cond3A = arith.constant 0 : i32
    %cond3A_64 = arith.cmpi ne, %convert_element_type3A_63, %cond3A : i32
    scf.if %cond3A_64 {
      %swap3A = arith.constant 0 : index
      %swap3A_73 = arith.constant 0 : index
      %swap3A_74 = vector.load %arg6[%swap3A, %swap3A_73] : memref<256x768xf32, #tpu.memory_space<vmem>>, vector<256x768xf32>
      tpu.vector_store %arg6[%swap3A, %swap3A_73], %convert_element_type3A_58 {strides = array<i32>} : memref<256x768xf32, #tpu.memory_space<vmem>>, vector<256x768xf32>,
    } else {
    }
    %get3A_65 = arith.constant 4 : index
    %get3A_66 = arith.index_cast %arg0 : i32 to index
    %get3A_67 = memref.load %arg1[%get3A_65, %get3A_66] : memref<8x128xi32, #tpu.memory_space<smem>>
    %eq3A_68 = arith.constant 0 : i32
    %eq3A_69 = arith.cmpi eq, %get3A_67, %eq3A_68 : i32
    %convert_element_type3A_70 = arith.extui %eq3A_69 : i1 to i32
    %cond3A_71 = arith.constant 0 : i32
    %cond3A_72 = arith.cmpi ne, %convert_element_type3A_70, %cond3A_71 : i32
    scf.if %cond3A_72 {
      %get3A_73 = arith.constant 0 : index
      %get3A_74 = arith.constant 0 : index
      %get3A_75 = vector.load %arg6[%get3A_73, %get3A_74] : memref<256x768xf32, #tpu.memory_space<vmem>>, vector<256x768xf32>
      %add3A_76 = arith.addf %get3A_75, %convert_element_type3A_58 : vector<256x768xf32>
      %swap3A = arith.constant 0 : index
      %swap3A_77 = arith.constant 0 : index
      %swap3A_78 = vector.load %arg6[%swap3A, %swap3A_77] : memref<256x768xf32, #tpu.memory_space<vmem>>, vector<256x768xf32>
      tpu.vector_store %arg6[%swap3A, %swap3A_77], %add3A_76 {strides = array<i32>} : memref<256x768xf32, #tpu.memory_space<vmem>>, vector<256x768xf32>,
    } else {
    }
    return
  }
  func.func @transform_0(%arg0: i32, %arg1: memref<8x128xi32, #tpu.memory_space<smem>>) -> (i32, i32) {
    %get3A = arith.constant 0 : index
    %get3A_0 = arith.index_cast %arg0 : i32 to index
    %get3A_1 = memref.load %arg1[%get3A, %get3A_0] : memref<8x128xi32, #tpu.memory_space<smem>>
    %c0_i32 = arith.constant 0 : i32
    %c0_i32_2 = arith.constant 0 : i32
    return %get3A_1, %c0_i32 : i32, i32
  }
  func.func @transform_1(%arg0: i32, %arg1: memref<8x128xi32, #tpu.memory_space<smem>>) -> (i32, i32, i32) {
    %get3A = arith.constant 1 : index
    %get3A_0 = arith.index_cast %arg0 : i32 to index
    %get3A_1 = memref.load %arg1[%get3A, %get3A_0] : memref<8x128xi32, #tpu.memory_space<smem>>
    %c0_i32 = arith.constant 0 : i32
    %c0_i32_2 = arith.constant 0 : i32
    %c0_i32_3 = arith.constant 0 : i32
    return %get3A_1, %c0_i32, %c0_i32_2 : i32, i32, i32
  }
  func.func @transform_2(%arg0: i32, %arg1: memref<8x128xi32, #tpu.memory_space<smem>>) -> (i32, i32, i32) {
    %get3A = arith.constant 1 : index
    %get3A_0 = arith.index_cast %arg0 : i32 to index
    %get3A_1 = memref.load %arg1[%get3A, %get3A_0] : memref<8x128xi32, #tpu.memory_space<smem>>
    %c0_i32 = arith.constant 0 : i32
    %c0_i32_2 = arith.constant 0 : i32
    %c0_i32_3 = arith.constant 0 : i32
    return %get3A_1, %c0_i32, %c0_i32_2 : i32, i32, i32
  }
  func.func @transform_3(%arg0: i32, %arg1: memref<8x128xi32, #tpu.memory_space<smem>>) -> (i32, i32, i32) {
    %get3A = arith.constant 1 : index
    %get3A_0 = arith.index_cast %arg0 : i32 to index
    %get3A_1 = memref.load %arg1[%get3A, %get3A_0] : memref<8x128xi32, #tpu.memory_space<smem>>
    %c0_i32 = arith.constant 0 : i32
    %c0_i32_2 = arith.constant 0 : i32
    %c0_i32_3 = arith.constant 0 : i32
    return %get3A_1, %c0_i32, %c0_i32_2 : i32, i32, i32
  }
  func.func @transform_4(%arg0: i32, %arg1: memref<8x128xi32, #tpu.memory_space<smem>>) -> (i32, i32) {
    %get3A = arith.constant 0 : index
    %get3A_0 = arith.index_cast %arg0 : i32 to index
    %get3A_1 = memref.load %arg1[%get3A, %get3A_0] : memref<8x128xi32, #tpu.memory_space<smem>>
    %c0_i32 = arith.constant 0 : i32
    %c0_i32_2 = arith.constant 0 : i32
    return %get3A_1, %c0_i32 : i32, i32
  }
}

module attributes {stable_mosaic.version = 14 : i64} {
  func.func @_router_body(%arg0: memref<2048x768xf32, #tpu.memory_space<vmem>>, %arg1: memref<16x768xf32, #tpu.memory_space<vmem>>, %arg2: memref<2048x1xi32, #tpu.memory_space<vmem>>, %arg3: memref<8x128xi32, #tpu.memory_space<vmem>>, %arg4: memref<2048x384xi32, #tpu.memory_space<vmem>>) attributes {dimension_semantics = [], scalar_prefetch = 0 : i64, scratch_operands = 0 : i64, tpu.core_type = #tpu.core_type<tc>} {
    %get3A = arith.constant 0 : index
    %get3A_0 = arith.constant 0 : index
    %get3A_1 = vector.load %arg0[%get3A, %get3A_0] : memref<2048x768xf32, #tpu.memory_space<vmem>>, vector<2048x768xf32>
    %get3A_2 = arith.constant 0 : index
    %get3A_3 = arith.constant 0 : index
    %get3A_4 = vector.load %arg1[%get3A_2, %get3A_3] : memref<16x768xf32, #tpu.memory_space<vmem>>, vector<16x768xf32>
    %dot_general3A = arith.constant dense<0.000000e+00> : vector<2048x16xf32>
    %dot_general3A_5 = tpu.matmul %get3A_1, %get3A_4, %dot_general3A {dimension_numbers = #tpu.dot_dimension_numbers<[1], [1], [0], [0], [0, 0, 1, 0], [], []>, transpose_lhs_hint = false} : vector<2048x768xf32>, vector<16x768xf32>, vector<2048x16xf32> -> vector<2048x16xf32>
    %reduce_max3A = arith.constant dense<0xFF800000> : vector<2048xf32>
    %reduce_max3A_6 = vector.multi_reduction <maximumf>, %dot_general3A_5, %reduce_max3A [1] : vector<2048x16xf32> to vector<2048xf32>
    %broadcast_in_dim3A = vector.shape_cast %reduce_max3A_6 : vector<2048xf32> to vector<2048x1xf32>
    %iota3A = tpu.iota {dimensions = array<i32: 1>} : vector<2048x16xi32>
    %eq3A = vector.broadcast %broadcast_in_dim3A : vector<2048x1xf32> to vector<2048x16xf32>
    %eq3A_7 = arith.cmpf oeq, %dot_general3A_5, %eq3A : vector<2048x16xf32>
    %jit3A = arith.constant 16 : i32
    %broadcast_in_dim3A_8 = vector.broadcast %jit3A : i32 to vector<2048x16xi32>
    %select_n3A = arith.select %eq3A_7, %iota3A, %broadcast_in_dim3A_8 : vector<2048x16xi1>, vector<2048x16xi32>
    %reduce_min3A = arith.constant dense<2147483647> : vector<2048xi32>
    %reduce_min3A_9 = vector.multi_reduction <minsi>, %select_n3A, %reduce_min3A [1] : vector<2048x16xi32> to vector<2048xi32>
    %broadcast_in_dim3A_10 = vector.shape_cast %reduce_min3A_9 : vector<2048xi32> to vector<2048x1xi32>
    %eq3A_11 = vector.broadcast %broadcast_in_dim3A_10 : vector<2048x1xi32> to vector<2048x16xi32>
    %eq3A_12 = arith.cmpi eq, %iota3A, %eq3A_11 : vector<2048x16xi32>
    %convert_element_type3A = arith.extui %eq3A_12 : vector<2048x16xi1> to vector<2048x16xi32>
    %convert_element_type3A_13 = arith.sitofp %convert_element_type3A : vector<2048x16xi32> to vector<2048x16xf32>
    %convert_element_type3A_14 = arith.truncf %convert_element_type3A_13 : vector<2048x16xf32> to vector<2048x16xbf16>
    %broadcast_in_dim3A_15 = arith.constant 1.000000e+00 : bf16
    %broadcast_in_dim3A_16 = vector.broadcast %broadcast_in_dim3A_15 : bf16 to vector<2048x8xbf16>
    %dot_general3A_17 = arith.constant dense<0.000000e+00> : vector<16x8xf32>
    %dot_general3A_18 = tpu.matmul %convert_element_type3A_14, %broadcast_in_dim3A_16, %dot_general3A_17 {dimension_numbers = #tpu.dot_dimension_numbers<[0], [0], [1], [1], [0, 1, 1, 1], [], []>, transpose_lhs_hint = false} : vector<2048x16xbf16>, vector<2048x8xbf16>, vector<16x8xf32> -> vector<16x8xf32>
    %iota3A_19 = tpu.iota {dimensions = array<i32: 0>} : vector<256x256xi32>
    %iota3A_20 = tpu.iota {dimensions = array<i32: 1>} : vector<256x256xi32>
    %gt3A = arith.cmpi sgt, %iota3A_19, %iota3A_20 : vector<256x256xi32>
    %convert_element_type3A_21 = arith.extui %gt3A : vector<256x256xi1> to vector<256x256xi32>
    %convert_element_type3A_22 = arith.sitofp %convert_element_type3A_21 : vector<256x256xi32> to vector<256x256xf32>
    %convert_element_type3A_23 = arith.truncf %convert_element_type3A_22 : vector<256x256xf32> to vector<256x256xbf16>
    %convert_element_type3A_24 = arith.extf %convert_element_type3A_14 : vector<2048x16xbf16> to vector<2048x16xf32>
    %broadcast_in_dim3A_25 = arith.constant 0.000000e+00 : f32
    %broadcast_in_dim3A_26 = vector.broadcast %broadcast_in_dim3A_25 : f32 to vector<1x16xf32>
    %slice3A = vector.extract_strided_slice %convert_element_type3A_14 {offsets = [0, 0], sizes = [256, 16], strides = [1, 1]} : vector<2048x16xbf16> to vector<256x16xbf16>
    %dot_general3A_27 = arith.constant dense<0.000000e+00> : vector<256x16xf32>
    %dot_general3A_28 = tpu.matmul %convert_element_type3A_23, %slice3A, %dot_general3A_27 {dimension_numbers = #tpu.dot_dimension_numbers<[1], [0], [0], [1], [0, 0, 1, 1], [], []>, transpose_lhs_hint = false} : vector<256x256xbf16>, vector<256x16xbf16>, vector<256x16xf32> -> vector<256x16xf32>
    %add3A = vector.broadcast %broadcast_in_dim3A_26 : vector<1x16xf32> to vector<256x16xf32>
    %add3A_29 = arith.addf %dot_general3A_28, %add3A : vector<256x16xf32>
    %slice3A_30 = vector.extract_strided_slice %convert_element_type3A_24 {offsets = [0, 0], sizes = [256, 16], strides = [1, 1]} : vector<2048x16xf32> to vector<256x16xf32>
    %mul3A = arith.mulf %add3A_29, %slice3A_30 : vector<256x16xf32>
    %reduce_sum3A = arith.constant dense<0.000000e+00> : vector<256xf32>
    %reduce_sum3A_31 = vector.multi_reduction <add>, %mul3A, %reduce_sum3A [1] : vector<256x16xf32> to vector<256xf32>
    %broadcast_in_dim3A_32 = vector.shape_cast %reduce_sum3A_31 : vector<256xf32> to vector<256x1xf32>
    %convert_element_type3A_33 = arith.extf %slice3A : vector<256x16xbf16> to vector<256x16xf32>
    %reduce_sum3A_34 = arith.constant dense<0.000000e+00> : vector<16xf32>
    %reduce_sum3A_35 = vector.multi_reduction <add>, %convert_element_type3A_33, %reduce_sum3A_34 [0] : vector<256x16xf32> to vector<16xf32>
    %broadcast_in_dim3A_36 = vector.shape_cast %reduce_sum3A_35 : vector<16xf32> to vector<1x16xf32>
    %add3A_37 = arith.addf %broadcast_in_dim3A_26, %broadcast_in_dim3A_36 : vector<1x16xf32>
    %slice3A_38 = vector.extract_strided_slice %convert_element_type3A_14 {offsets = [256, 0], sizes = [256, 16], strides = [1, 1]} : vector<2048x16xbf16> to vector<256x16xbf16>
    %dot_general3A_39 = arith.constant dense<0.000000e+00> : vector<256x16xf32>
    %dot_general3A_40 = tpu.matmul %convert_element_type3A_23, %slice3A_38, %dot_general3A_39 {dimension_numbers = #tpu.dot_dimension_numbers<[1], [0], [0], [1], [0, 0, 1, 1], [], []>, transpose_lhs_hint = false} : vector<256x256xbf16>, vector<256x16xbf16>, vector<256x16xf32> -> vector<256x16xf32>
    %add3A_41 = vector.broadcast %add3A_37 : vector<1x16xf32> to vector<256x16xf32>
    %add3A_42 = arith.addf %dot_general3A_40, %add3A_41 : vector<256x16xf32>
    %slice3A_43 = vector.extract_strided_slice %convert_element_type3A_24 {offsets = [256, 0], sizes = [256, 16], strides = [1, 1]} : vector<2048x16xf32> to vector<256x16xf32>
    %mul3A_44 = arith.mulf %add3A_42, %slice3A_43 : vector<256x16xf32>
    %reduce_sum3A_45 = arith.constant dense<0.000000e+00> : vector<256xf32>
    %reduce_sum3A_46 = vector.multi_reduction <add>, %mul3A_44, %reduce_sum3A_45 [1] : vector<256x16xf32> to vector<256xf32>
    %broadcast_in_dim3A_47 = vector.shape_cast %reduce_sum3A_46 : vector<256xf32> to vector<256x1xf32>
    %convert_element_type3A_48 = arith.extf %slice3A_38 : vector<256x16xbf16> to vector<256x16xf32>
    %reduce_sum3A_49 = arith.constant dense<0.000000e+00> : vector<16xf32>
    %reduce_sum3A_50 = vector.multi_reduction <add>, %convert_element_type3A_48, %reduce_sum3A_49 [0] : vector<256x16xf32> to vector<16xf32>
    %broadcast_in_dim3A_51 = vector.shape_cast %reduce_sum3A_50 : vector<16xf32> to vector<1x16xf32>
    %add3A_52 = arith.addf %add3A_37, %broadcast_in_dim3A_51 : vector<1x16xf32>
    %slice3A_53 = vector.extract_strided_slice %convert_element_type3A_14 {offsets = [512, 0], sizes = [256, 16], strides = [1, 1]} : vector<2048x16xbf16> to vector<256x16xbf16>
    %dot_general3A_54 = arith.constant dense<0.000000e+00> : vector<256x16xf32>
    %dot_general3A_55 = tpu.matmul %convert_element_type3A_23, %slice3A_53, %dot_general3A_54 {dimension_numbers = #tpu.dot_dimension_numbers<[1], [0], [0], [1], [0, 0, 1, 1], [], []>, transpose_lhs_hint = false} : vector<256x256xbf16>, vector<256x16xbf16>, vector<256x16xf32> -> vector<256x16xf32>
    %add3A_56 = vector.broadcast %add3A_52 : vector<1x16xf32> to vector<256x16xf32>
    %add3A_57 = arith.addf %dot_general3A_55, %add3A_56 : vector<256x16xf32>
    %slice3A_58 = vector.extract_strided_slice %convert_element_type3A_24 {offsets = [512, 0], sizes = [256, 16], strides = [1, 1]} : vector<2048x16xf32> to vector<256x16xf32>
    %mul3A_59 = arith.mulf %add3A_57, %slice3A_58 : vector<256x16xf32>
    %reduce_sum3A_60 = arith.constant dense<0.000000e+00> : vector<256xf32>
    %reduce_sum3A_61 = vector.multi_reduction <add>, %mul3A_59, %reduce_sum3A_60 [1] : vector<256x16xf32> to vector<256xf32>
    %broadcast_in_dim3A_62 = vector.shape_cast %reduce_sum3A_61 : vector<256xf32> to vector<256x1xf32>
    %convert_element_type3A_63 = arith.extf %slice3A_53 : vector<256x16xbf16> to vector<256x16xf32>
    %reduce_sum3A_64 = arith.constant dense<0.000000e+00> : vector<16xf32>
    %reduce_sum3A_65 = vector.multi_reduction <add>, %convert_element_type3A_63, %reduce_sum3A_64 [0] : vector<256x16xf32> to vector<16xf32>
    %broadcast_in_dim3A_66 = vector.shape_cast %reduce_sum3A_65 : vector<16xf32> to vector<1x16xf32>
    %add3A_67 = arith.addf %add3A_52, %broadcast_in_dim3A_66 : vector<1x16xf32>
    %slice3A_68 = vector.extract_strided_slice %convert_element_type3A_14 {offsets = [768, 0], sizes = [256, 16], strides = [1, 1]} : vector<2048x16xbf16> to vector<256x16xbf16>
    %dot_general3A_69 = arith.constant dense<0.000000e+00> : vector<256x16xf32>
    %dot_general3A_70 = tpu.matmul %convert_element_type3A_23, %slice3A_68, %dot_general3A_69 {dimension_numbers = #tpu.dot_dimension_numbers<[1], [0], [0], [1], [0, 0, 1, 1], [], []>, transpose_lhs_hint = false} : vector<256x256xbf16>, vector<256x16xbf16>, vector<256x16xf32> -> vector<256x16xf32>
    %add3A_71 = vector.broadcast %add3A_67 : vector<1x16xf32> to vector<256x16xf32>
    %add3A_72 = arith.addf %dot_general3A_70, %add3A_71 : vector<256x16xf32>
    %slice3A_73 = vector.extract_strided_slice %convert_element_type3A_24 {offsets = [768, 0], sizes = [256, 16], strides = [1, 1]} : vector<2048x16xf32> to vector<256x16xf32>
    %mul3A_74 = arith.mulf %add3A_72, %slice3A_73 : vector<256x16xf32>
    %reduce_sum3A_75 = arith.constant dense<0.000000e+00> : vector<256xf32>
    %reduce_sum3A_76 = vector.multi_reduction <add>, %mul3A_74, %reduce_sum3A_75 [1] : vector<256x16xf32> to vector<256xf32>
    %broadcast_in_dim3A_77 = vector.shape_cast %reduce_sum3A_76 : vector<256xf32> to vector<256x1xf32>
    %convert_element_type3A_78 = arith.extf %slice3A_68 : vector<256x16xbf16> to vector<256x16xf32>
    %reduce_sum3A_79 = arith.constant dense<0.000000e+00> : vector<16xf32>
    %reduce_sum3A_80 = vector.multi_reduction <add>, %convert_element_type3A_78, %reduce_sum3A_79 [0] : vector<256x16xf32> to vector<16xf32>
    %broadcast_in_dim3A_81 = vector.shape_cast %reduce_sum3A_80 : vector<16xf32> to vector<1x16xf32>
    %add3A_82 = arith.addf %add3A_67, %broadcast_in_dim3A_81 : vector<1x16xf32>
    %slice3A_83 = vector.extract_strided_slice %convert_element_type3A_14 {offsets = [1024, 0], sizes = [256, 16], strides = [1, 1]} : vector<2048x16xbf16> to vector<256x16xbf16>
    %dot_general3A_84 = arith.constant dense<0.000000e+00> : vector<256x16xf32>
    %dot_general3A_85 = tpu.matmul %convert_element_type3A_23, %slice3A_83, %dot_general3A_84 {dimension_numbers = #tpu.dot_dimension_numbers<[1], [0], [0], [1], [0, 0, 1, 1], [], []>, transpose_lhs_hint = false} : vector<256x256xbf16>, vector<256x16xbf16>, vector<256x16xf32> -> vector<256x16xf32>
    %add3A_86 = vector.broadcast %add3A_82 : vector<1x16xf32> to vector<256x16xf32>
    %add3A_87 = arith.addf %dot_general3A_85, %add3A_86 : vector<256x16xf32>
    %slice3A_88 = vector.extract_strided_slice %convert_element_type3A_24 {offsets = [1024, 0], sizes = [256, 16], strides = [1, 1]} : vector<2048x16xf32> to vector<256x16xf32>
    %mul3A_89 = arith.mulf %add3A_87, %slice3A_88 : vector<256x16xf32>
    %reduce_sum3A_90 = arith.constant dense<0.000000e+00> : vector<256xf32>
    %reduce_sum3A_91 = vector.multi_reduction <add>, %mul3A_89, %reduce_sum3A_90 [1] : vector<256x16xf32> to vector<256xf32>
    %broadcast_in_dim3A_92 = vector.shape_cast %reduce_sum3A_91 : vector<256xf32> to vector<256x1xf32>
    %convert_element_type3A_93 = arith.extf %slice3A_83 : vector<256x16xbf16> to vector<256x16xf32>
    %reduce_sum3A_94 = arith.constant dense<0.000000e+00> : vector<16xf32>
    %reduce_sum3A_95 = vector.multi_reduction <add>, %convert_element_type3A_93, %reduce_sum3A_94 [0] : vector<256x16xf32> to vector<16xf32>
    %broadcast_in_dim3A_96 = vector.shape_cast %reduce_sum3A_95 : vector<16xf32> to vector<1x16xf32>
    %add3A_97 = arith.addf %add3A_82, %broadcast_in_dim3A_96 : vector<1x16xf32>
    %slice3A_98 = vector.extract_strided_slice %convert_element_type3A_14 {offsets = [1280, 0], sizes = [256, 16], strides = [1, 1]} : vector<2048x16xbf16> to vector<256x16xbf16>
    %dot_general3A_99 = arith.constant dense<0.000000e+00> : vector<256x16xf32>
    %dot_general3A_100 = tpu.matmul %convert_element_type3A_23, %slice3A_98, %dot_general3A_99 {dimension_numbers = #tpu.dot_dimension_numbers<[1], [0], [0], [1], [0, 0, 1, 1], [], []>, transpose_lhs_hint = false} : vector<256x256xbf16>, vector<256x16xbf16>, vector<256x16xf32> -> vector<256x16xf32>
    %add3A_101 = vector.broadcast %add3A_97 : vector<1x16xf32> to vector<256x16xf32>
    %add3A_102 = arith.addf %dot_general3A_100, %add3A_101 : vector<256x16xf32>
    %slice3A_103 = vector.extract_strided_slice %convert_element_type3A_24 {offsets = [1280, 0], sizes = [256, 16], strides = [1, 1]} : vector<2048x16xf32> to vector<256x16xf32>
    %mul3A_104 = arith.mulf %add3A_102, %slice3A_103 : vector<256x16xf32>
    %reduce_sum3A_105 = arith.constant dense<0.000000e+00> : vector<256xf32>
    %reduce_sum3A_106 = vector.multi_reduction <add>, %mul3A_104, %reduce_sum3A_105 [1] : vector<256x16xf32> to vector<256xf32>
    %broadcast_in_dim3A_107 = vector.shape_cast %reduce_sum3A_106 : vector<256xf32> to vector<256x1xf32>
    %convert_element_type3A_108 = arith.extf %slice3A_98 : vector<256x16xbf16> to vector<256x16xf32>
    %reduce_sum3A_109 = arith.constant dense<0.000000e+00> : vector<16xf32>
    %reduce_sum3A_110 = vector.multi_reduction <add>, %convert_element_type3A_108, %reduce_sum3A_109 [0] : vector<256x16xf32> to vector<16xf32>
    %broadcast_in_dim3A_111 = vector.shape_cast %reduce_sum3A_110 : vector<16xf32> to vector<1x16xf32>
    %add3A_112 = arith.addf %add3A_97, %broadcast_in_dim3A_111 : vector<1x16xf32>
    %slice3A_113 = vector.extract_strided_slice %convert_element_type3A_14 {offsets = [1536, 0], sizes = [256, 16], strides = [1, 1]} : vector<2048x16xbf16> to vector<256x16xbf16>
    %dot_general3A_114 = arith.constant dense<0.000000e+00> : vector<256x16xf32>
    %dot_general3A_115 = tpu.matmul %convert_element_type3A_23, %slice3A_113, %dot_general3A_114 {dimension_numbers = #tpu.dot_dimension_numbers<[1], [0], [0], [1], [0, 0, 1, 1], [], []>, transpose_lhs_hint = false} : vector<256x256xbf16>, vector<256x16xbf16>, vector<256x16xf32> -> vector<256x16xf32>
    %add3A_116 = vector.broadcast %add3A_112 : vector<1x16xf32> to vector<256x16xf32>
    %add3A_117 = arith.addf %dot_general3A_115, %add3A_116 : vector<256x16xf32>
    %slice3A_118 = vector.extract_strided_slice %convert_element_type3A_24 {offsets = [1536, 0], sizes = [256, 16], strides = [1, 1]} : vector<2048x16xf32> to vector<256x16xf32>
    %mul3A_119 = arith.mulf %add3A_117, %slice3A_118 : vector<256x16xf32>
    %reduce_sum3A_120 = arith.constant dense<0.000000e+00> : vector<256xf32>
    %reduce_sum3A_121 = vector.multi_reduction <add>, %mul3A_119, %reduce_sum3A_120 [1] : vector<256x16xf32> to vector<256xf32>
    %broadcast_in_dim3A_122 = vector.shape_cast %reduce_sum3A_121 : vector<256xf32> to vector<256x1xf32>
    %convert_element_type3A_123 = arith.extf %slice3A_113 : vector<256x16xbf16> to vector<256x16xf32>
    %reduce_sum3A_124 = arith.constant dense<0.000000e+00> : vector<16xf32>
    %reduce_sum3A_125 = vector.multi_reduction <add>, %convert_element_type3A_123, %reduce_sum3A_124 [0] : vector<256x16xf32> to vector<16xf32>
    %broadcast_in_dim3A_126 = vector.shape_cast %reduce_sum3A_125 : vector<16xf32> to vector<1x16xf32>
    %add3A_127 = arith.addf %add3A_112, %broadcast_in_dim3A_126 : vector<1x16xf32>
    %slice3A_128 = vector.extract_strided_slice %convert_element_type3A_14 {offsets = [1792, 0], sizes = [256, 16], strides = [1, 1]} : vector<2048x16xbf16> to vector<256x16xbf16>
    %dot_general3A_129 = arith.constant dense<0.000000e+00> : vector<256x16xf32>
    %dot_general3A_130 = tpu.matmul %convert_element_type3A_23, %slice3A_128, %dot_general3A_129 {dimension_numbers = #tpu.dot_dimension_numbers<[1], [0], [0], [1], [0, 0, 1, 1], [], []>, transpose_lhs_hint = false} : vector<256x256xbf16>, vector<256x16xbf16>, vector<256x16xf32> -> vector<256x16xf32>
    %add3A_131 = vector.broadcast %add3A_127 : vector<1x16xf32> to vector<256x16xf32>
    %add3A_132 = arith.addf %dot_general3A_130, %add3A_131 : vector<256x16xf32>
    %slice3A_133 = vector.extract_strided_slice %convert_element_type3A_24 {offsets = [1792, 0], sizes = [256, 16], strides = [1, 1]} : vector<2048x16xf32> to vector<256x16xf32>
    %mul3A_134 = arith.mulf %add3A_132, %slice3A_133 : vector<256x16xf32>
    %reduce_sum3A_135 = arith.constant dense<0.000000e+00> : vector<256xf32>
    %reduce_sum3A_136 = vector.multi_reduction <add>, %mul3A_134, %reduce_sum3A_135 [1] : vector<256x16xf32> to vector<256xf32>
    %broadcast_in_dim3A_137 = vector.shape_cast %reduce_sum3A_136 : vector<256xf32> to vector<256x1xf32>
    %concatenate3A = tpu.concatenate %broadcast_in_dim3A_32, %broadcast_in_dim3A_47, %broadcast_in_dim3A_62, %broadcast_in_dim3A_77, %broadcast_in_dim3A_92, %broadcast_in_dim3A_107, %broadcast_in_dim3A_122, %broadcast_in_dim3A_137 in 0 : vector<256x1xf32>, vector<256x1xf32>, vector<256x1xf32>, vector<256x1xf32>, vector<256x1xf32>, vector<256x1xf32>, vector<256x1xf32>, vector<256x1xf32> -> vector<2048x1xf32>
    %iota3A_138 = tpu.iota {dimensions = array<i32: 0>} : vector<16x16xi32>
    %iota3A_139 = tpu.iota {dimensions = array<i32: 1>} : vector<16x16xi32>
    %ge3A = arith.cmpi sge, %iota3A_138, %iota3A_139 : vector<16x16xi32>
    %convert_element_type3A_140 = arith.extui %ge3A : vector<16x16xi1> to vector<16x16xi32>
    %convert_element_type3A_141 = arith.sitofp %convert_element_type3A_140 : vector<16x16xi32> to vector<16x16xf32>
    %dot_general3A_142 = arith.constant dense<0.000000e+00> : vector<16x8xf32>
    %dot_general3A_143 = tpu.matmul %convert_element_type3A_141, %dot_general3A_18, %dot_general3A_142 {dimension_numbers = #tpu.dot_dimension_numbers<[1], [0], [0], [1], [0, 0, 1, 1], [], []>, transpose_lhs_hint = false} : vector<16x16xf32>, vector<16x8xf32>, vector<16x8xf32> -> vector<16x8xf32>
    %slice3A_144 = vector.extract_strided_slice %dot_general3A_18 {offsets = [0, 0], sizes = [16, 1], strides = [1, 1]} : vector<16x8xf32> to vector<16x1xf32>
    %convert_element_type3A_145 = arith.fptosi %slice3A_144 : vector<16x1xf32> to vector<16x1xi32>
    %slice3A_146 = vector.extract_strided_slice %dot_general3A_143 {offsets = [0, 0], sizes = [16, 1], strides = [1, 1]} : vector<16x8xf32> to vector<16x1xf32>
    %convert_element_type3A_147 = arith.fptosi %slice3A_146 : vector<16x1xf32> to vector<16x1xi32>
    %sub3A = arith.subi %convert_element_type3A_147, %convert_element_type3A_145 : vector<16x1xi32>
    %broadcast_in_dim3A_148 = arith.constant 1.000000e+00 : bf16
    %broadcast_in_dim3A_149 = vector.broadcast %broadcast_in_dim3A_148 : bf16 to vector<8x2048xbf16>
    %dot_general3A_150 = arith.constant dense<0.000000e+00> : vector<8x16xf32>
    %dot_general3A_151 = tpu.matmul %broadcast_in_dim3A_149, %convert_element_type3A_14, %dot_general3A_150 {dimension_numbers = #tpu.dot_dimension_numbers<[1], [0], [0], [1], [0, 0, 1, 1], [], []>, transpose_lhs_hint = false} : vector<8x2048xbf16>, vector<2048x16xbf16>, vector<8x16xf32> -> vector<8x16xf32>
    %slice3A_152 = vector.extract_strided_slice %dot_general3A_151 {offsets = [0, 0], sizes = [1, 16], strides = [1, 1]} : vector<8x16xf32> to vector<1x16xf32>
    %lt3A = arith.cmpi slt, %iota3A_138, %iota3A_139 : vector<16x16xi32>
    %convert_element_type3A_153 = arith.extui %lt3A : vector<16x16xi1> to vector<16x16xi32>
    %convert_element_type3A_154 = arith.sitofp %convert_element_type3A_153 : vector<16x16xi32> to vector<16x16xf32>
    %dot_general3A_155 = arith.constant dense<0.000000e+00> : vector<1x16xf32>
    %dot_general3A_156 = tpu.matmul %slice3A_152, %convert_element_type3A_154, %dot_general3A_155 {dimension_numbers = #tpu.dot_dimension_numbers<[1], [0], [0], [1], [0, 0, 1, 1], [], []>, transpose_lhs_hint = false} : vector<1x16xf32>, vector<16x16xf32>, vector<1x16xf32> -> vector<1x16xf32>
    %eq3A_157 = vector.broadcast %broadcast_in_dim3A_10 : vector<2048x1xi32> to vector<2048x16xi32>
    %eq3A_158 = arith.cmpi eq, %iota3A, %eq3A_157 : vector<2048x16xi32>
    %jit3A_159 = arith.constant 0.000000e+00 : f32
    %broadcast_in_dim3A_160 = vector.shape_cast %dot_general3A_156 : vector<1x16xf32> to vector<1x16xf32>
    %broadcast_in_dim3A_161 = vector.broadcast %broadcast_in_dim3A_160 : vector<1x16xf32> to vector<2048x16xf32>
    %broadcast_in_dim3A_162 = vector.broadcast %jit3A_159 : f32 to vector<2048x16xf32>
    %select_n3A_163 = arith.select %eq3A_158, %broadcast_in_dim3A_161, %broadcast_in_dim3A_162 : vector<2048x16xi1>, vector<2048x16xf32>
    %reduce_sum3A_164 = arith.constant dense<0.000000e+00> : vector<2048xf32>
    %reduce_sum3A_165 = vector.multi_reduction <add>, %select_n3A_163, %reduce_sum3A_164 [1] : vector<2048x16xf32> to vector<2048xf32>
    %broadcast_in_dim3A_166 = vector.shape_cast %reduce_sum3A_165 : vector<2048xf32> to vector<2048x1xf32>
    %add3A_167 = arith.addf %concatenate3A, %broadcast_in_dim3A_166 : vector<2048x1xf32>
    %convert_element_type3A_168 = arith.fptosi %add3A_167 : vector<2048x1xf32> to vector<2048x1xi32>
    %swap3A = arith.constant 0 : index
    %swap3A_169 = arith.constant 0 : index
    %swap3A_170 = vector.load %arg2[%swap3A, %swap3A_169] : memref<2048x1xi32, #tpu.memory_space<vmem>>, vector<2048x1xi32>
    tpu.vector_store %arg2[%swap3A, %swap3A_169], %convert_element_type3A_168 {strides = array<i32>} : memref<2048x1xi32, #tpu.memory_space<vmem>>, vector<2048x1xi32>,
    %logistic3A = arith.negf %broadcast_in_dim3A : vector<2048x1xf32>
    %logistic3A_171 = math.exp %logistic3A : vector<2048x1xf32>
    %logistic3A_172 = arith.constant 1.000000e+00 : f32
    %logistic3A_173 = vector.broadcast %logistic3A_172 : f32 to vector<2048x1xf32>
    %logistic3A_174 = arith.addf %logistic3A_173, %logistic3A_171 : vector<2048x1xf32>
    %logistic3A_175 = arith.divf %logistic3A_173, %logistic3A_174 : vector<2048x1xf32>
    %mul3A_176 = vector.broadcast %logistic3A_175 : vector<2048x1xf32> to vector<2048x768xf32>
    %mul3A_177 = arith.mulf %get3A_1, %mul3A_176 : vector<2048x768xf32>
    %convert_element_type3A_178 = arith.truncf %mul3A_177 : vector<2048x768xf32> to vector<2048x768xbf16>
    %slice3A_179 = vector.extract_strided_slice %convert_element_type3A_178 {offsets = [0, 0], sizes = [2048, 384], strides = [1, 1]} : vector<2048x768xbf16> to vector<2048x384xbf16>
    %bitcast_convert_type3A = tpu.bitcast %slice3A_179 : vector<2048x384xbf16> -> vector<2048x384xi16>
    %convert_element_type3A_180 = arith.extui %bitcast_convert_type3A : vector<2048x384xi16> to vector<2048x384xi32>
    %slice3A_181 = vector.extract_strided_slice %convert_element_type3A_178 {offsets = [0, 384], sizes = [2048, 384], strides = [1, 1]} : vector<2048x768xbf16> to vector<2048x384xbf16>
    %bitcast_convert_type3A_182 = tpu.bitcast %slice3A_181 : vector<2048x384xbf16> -> vector<2048x384xi16>
    %convert_element_type3A_183 = arith.extui %bitcast_convert_type3A_182 : vector<2048x384xi16> to vector<2048x384xi32>
    %shift_left3A = arith.constant 16 : i32
    %shift_left3A_184 = vector.broadcast %shift_left3A : i32 to vector<2048x384xi32>
    %shift_left3A_185 = arith.shli %convert_element_type3A_183, %shift_left3A_184 : vector<2048x384xi32>
    %or3A = arith.ori %shift_left3A_185, %convert_element_type3A_180 : vector<2048x384xi32>
    %bitcast_convert_type3A_186 = tpu.bitcast %or3A : vector<2048x384xi32> -> vector<2048x384xi32>
    %swap3A_187 = arith.constant 0 : index
    %swap3A_188 = arith.constant 0 : index
    %swap3A_189 = vector.load %arg4[%swap3A_187, %swap3A_188] : memref<2048x384xi32, #tpu.memory_space<vmem>>, vector<2048x384xi32>
    tpu.vector_store %arg4[%swap3A_187, %swap3A_188], %bitcast_convert_type3A_186 {strides = array<i32>} : memref<2048x384xi32, #tpu.memory_space<vmem>>, vector<2048x384xi32>,
    %shift_right_logical3A = arith.constant 8 : i32
    %shift_right_logical3A_190 = vector.broadcast %shift_right_logical3A : i32 to vector<16x1xi32>
    %shift_right_logical3A_191 = arith.shrui %sub3A, %shift_right_logical3A_190 : vector<16x1xi32>
    %add3A_192 = arith.constant 255 : i32
    %add3A_193 = vector.broadcast %add3A_192 : i32 to vector<16x1xi32>
    %add3A_194 = arith.addi %convert_element_type3A_147, %add3A_193 : vector<16x1xi32>
    %shift_right_logical3A_195 = arith.constant 8 : i32
    %shift_right_logical3A_196 = vector.broadcast %shift_right_logical3A_195 : i32 to vector<16x1xi32>
    %shift_right_logical3A_197 = arith.shrui %add3A_194, %shift_right_logical3A_196 : vector<16x1xi32>
    %gt3A_198 = arith.constant 0 : i32
    %gt3A_199 = vector.broadcast %gt3A_198 : i32 to vector<16x1xi32>
    %gt3A_200 = arith.cmpi sgt, %convert_element_type3A_145, %gt3A_199 : vector<16x1xi32>
    %sub3A_201 = arith.subi %shift_right_logical3A_197, %shift_right_logical3A_191 : vector<16x1xi32>
    %jit3A_202 = arith.constant 0 : i32
    %broadcast_in_dim3A_203 = vector.broadcast %jit3A_202 : i32 to vector<16x1xi32>
    %select_n3A_204 = arith.select %gt3A_200, %sub3A_201, %broadcast_in_dim3A_203 : vector<16x1xi1>, vector<16x1xi32>
    %convert_element_type3A_205 = arith.sitofp %select_n3A_204 : vector<16x1xi32> to vector<16x1xf32>
    %dot_general3A_206 = arith.constant dense<0.000000e+00> : vector<16x1xf32>
    %dot_general3A_207 = tpu.matmul %convert_element_type3A_141, %convert_element_type3A_205, %dot_general3A_206 {dimension_numbers = #tpu.dot_dimension_numbers<[1], [0], [0], [1], [0, 0, 1, 1], [], []>, transpose_lhs_hint = false} : vector<16x16xf32>, vector<16x1xf32>, vector<16x1xf32> -> vector<16x1xf32>
    %convert_element_type3A_208 = arith.fptosi %dot_general3A_207 : vector<16x1xf32> to vector<16x1xi32>
    %sub3A_209 = arith.subi %convert_element_type3A_208, %select_n3A_204 : vector<16x1xi32>
    %reduce_max3A_210 = vector.shape_cast %convert_element_type3A_208 : vector<16x1xi32> to vector<1x16x1xi32>
    %reduce_max3A_211 = arith.constant dense<-2147483648> : vector<1xi32>
    %reduce_max3A_212 = vector.multi_reduction <maxsi>, %reduce_max3A_210, %reduce_max3A_211 [1, 2] : vector<1x16x1xi32> to vector<1xi32>
    %reduce_max3A_213 = vector.shape_cast %reduce_max3A_212 : vector<1xi32> to vector<1x1x1xi32>
    %reduce_max3A_214 = vector.extract %reduce_max3A_213[0, 0, 0] : i32 from vector<1x1x1xi32>
    %iota3A_215 = tpu.iota {dimensions = array<i32: 1>} : vector<1x23xi32>
    %le3A = vector.broadcast %convert_element_type3A_208 : vector<16x1xi32> to vector<16x23xi32>
    %le3A_216 = vector.broadcast %iota3A_215 : vector<1x23xi32> to vector<16x23xi32>
    %le3A_217 = arith.cmpi sle, %le3A, %le3A_216 : vector<16x23xi32>
    %convert_element_type3A_218 = arith.extui %le3A_217 : vector<16x23xi1> to vector<16x23xi32>
    %reduce_sum3A_219 = arith.constant dense<0> : vector<23xi32>
    %reduce_sum3A_220 = vector.multi_reduction <add>, %convert_element_type3A_218, %reduce_sum3A_219 [0] : vector<16x23xi32> to vector<23xi32>
    %broadcast_in_dim3A_221 = vector.shape_cast %reduce_sum3A_220 : vector<23xi32> to vector<1x23xi32>
    %min3A = arith.constant 15 : i32
    %min3A_222 = vector.broadcast %min3A : i32 to vector<1x23xi32>
    %min3A_223 = arith.minsi %broadcast_in_dim3A_221, %min3A_222 : vector<1x23xi32>
    %iota3A_224 = tpu.iota {dimensions = array<i32: 0>} : vector<16x23xi32>
    %eq3A_225 = vector.broadcast %min3A_223 : vector<1x23xi32> to vector<16x23xi32>
    %eq3A_226 = arith.cmpi eq, %iota3A_224, %eq3A_225 : vector<16x23xi32>
    %jit3A_227 = arith.constant 0 : i32
    %broadcast_in_dim3A_228 = vector.shape_cast %shift_right_logical3A_191 : vector<16x1xi32> to vector<16x1xi32>
    %broadcast_in_dim3A_229 = vector.broadcast %broadcast_in_dim3A_228 : vector<16x1xi32> to vector<16x23xi32>
    %broadcast_in_dim3A_230 = vector.broadcast %jit3A_227 : i32 to vector<16x23xi32>
    %select_n3A_231 = arith.select %eq3A_226, %broadcast_in_dim3A_229, %broadcast_in_dim3A_230 : vector<16x23xi1>, vector<16x23xi32>
    %reduce_sum3A_232 = arith.constant dense<0> : vector<23xi32>
    %reduce_sum3A_233 = vector.multi_reduction <add>, %select_n3A_231, %reduce_sum3A_232 [0] : vector<16x23xi32> to vector<23xi32>
    %broadcast_in_dim3A_234 = vector.shape_cast %reduce_sum3A_233 : vector<23xi32> to vector<1x23xi32>
    %jit3A_235 = arith.constant 0 : i32
    %broadcast_in_dim3A_236 = vector.shape_cast %sub3A_209 : vector<16x1xi32> to vector<16x1xi32>
    %broadcast_in_dim3A_237 = vector.broadcast %broadcast_in_dim3A_236 : vector<16x1xi32> to vector<16x23xi32>
    %broadcast_in_dim3A_238 = vector.broadcast %jit3A_235 : i32 to vector<16x23xi32>
    %select_n3A_239 = arith.select %eq3A_226, %broadcast_in_dim3A_237, %broadcast_in_dim3A_238 : vector<16x23xi1>, vector<16x23xi32>
    %reduce_sum3A_240 = arith.constant dense<0> : vector<23xi32>
    %reduce_sum3A_241 = vector.multi_reduction <add>, %select_n3A_239, %reduce_sum3A_240 [0] : vector<16x23xi32> to vector<23xi32>
    %broadcast_in_dim3A_242 = vector.shape_cast %reduce_sum3A_241 : vector<23xi32> to vector<1x23xi32>
    %jit3A_243 = arith.constant 0 : i32
    %broadcast_in_dim3A_244 = vector.shape_cast %sub3A : vector<16x1xi32> to vector<16x1xi32>
    %broadcast_in_dim3A_245 = vector.broadcast %broadcast_in_dim3A_244 : vector<16x1xi32> to vector<16x23xi32>
    %broadcast_in_dim3A_246 = vector.broadcast %jit3A_243 : i32 to vector<16x23xi32>
    %select_n3A_247 = arith.select %eq3A_226, %broadcast_in_dim3A_245, %broadcast_in_dim3A_246 : vector<16x23xi1>, vector<16x23xi32>
    %reduce_sum3A_248 = arith.constant dense<0> : vector<23xi32>
    %reduce_sum3A_249 = vector.multi_reduction <add>, %select_n3A_247, %reduce_sum3A_248 [0] : vector<16x23xi32> to vector<23xi32>
    %broadcast_in_dim3A_250 = vector.shape_cast %reduce_sum3A_249 : vector<23xi32> to vector<1x23xi32>
    %jit3A_251 = arith.constant 0 : i32
    %broadcast_in_dim3A_252 = vector.shape_cast %convert_element_type3A_147 : vector<16x1xi32> to vector<16x1xi32>
    %broadcast_in_dim3A_253 = vector.broadcast %broadcast_in_dim3A_252 : vector<16x1xi32> to vector<16x23xi32>
    %broadcast_in_dim3A_254 = vector.broadcast %jit3A_251 : i32 to vector<16x23xi32>
    %select_n3A_255 = arith.select %eq3A_226, %broadcast_in_dim3A_253, %broadcast_in_dim3A_254 : vector<16x23xi1>, vector<16x23xi32>
    %reduce_sum3A_256 = arith.constant dense<0> : vector<23xi32>
    %reduce_sum3A_257 = vector.multi_reduction <add>, %select_n3A_255, %reduce_sum3A_256 [0] : vector<16x23xi32> to vector<23xi32>
    %broadcast_in_dim3A_258 = vector.shape_cast %reduce_sum3A_257 : vector<23xi32> to vector<1x23xi32>
    %lt3A_259 = vector.broadcast %reduce_max3A_214 : i32 to vector<1x23xi32>
    %lt3A_260 = arith.cmpi slt, %iota3A_215, %lt3A_259 : vector<1x23xi32>
    %add3A_261 = arith.addi %broadcast_in_dim3A_234, %iota3A_215 : vector<1x23xi32>
    %sub3A_262 = arith.subi %add3A_261, %broadcast_in_dim3A_242 : vector<1x23xi32>
    %jit3A_263 = arith.constant 7 : i32
    %broadcast_in_dim3A_264 = vector.broadcast %jit3A_263 : i32 to vector<1x23xi32>
    %select_n3A_265 = arith.select %lt3A_260, %sub3A_262, %broadcast_in_dim3A_264 : vector<1x23xi1>, vector<1x23xi32>
    %mul3A_266 = arith.constant 256 : i32
    %mul3A_267 = vector.broadcast %mul3A_266 : i32 to vector<1x23xi32>
    %mul3A_268 = arith.muli %select_n3A_265, %mul3A_267 : vector<1x23xi32>
    %max3A = arith.maxsi %broadcast_in_dim3A_250, %mul3A_268 : vector<1x23xi32>
    %jit3A_269 = arith.constant 0 : i32
    %broadcast_in_dim3A_270 = vector.broadcast %jit3A_269 : i32 to vector<1x23xi32>
    %select_n3A_271 = arith.select %lt3A_260, %max3A, %broadcast_in_dim3A_270 : vector<1x23xi1>, vector<1x23xi32>
    %add3A_272 = arith.constant 1 : i32
    %add3A_273 = vector.broadcast %add3A_272 : i32 to vector<1x23xi32>
    %add3A_274 = arith.addi %select_n3A_265, %add3A_273 : vector<1x23xi32>
    %mul3A_275 = arith.constant 256 : i32
    %mul3A_276 = vector.broadcast %mul3A_275 : i32 to vector<1x23xi32>
    %mul3A_277 = arith.muli %add3A_274, %mul3A_276 : vector<1x23xi32>
    %min3A_278 = arith.minsi %broadcast_in_dim3A_258, %mul3A_277 : vector<1x23xi32>
    %jit3A_279 = arith.constant 0 : i32
    %broadcast_in_dim3A_280 = vector.broadcast %jit3A_279 : i32 to vector<1x23xi32>
    %select_n3A_281 = arith.select %lt3A_260, %min3A_278, %broadcast_in_dim3A_280 : vector<1x23xi1>, vector<1x23xi32>
    %mul3A_282 = arith.constant 256 : i32
    %mul3A_283 = vector.broadcast %mul3A_282 : i32 to vector<1x23xi32>
    %mul3A_284 = arith.muli %select_n3A_265, %mul3A_283 : vector<1x23xi32>
    %eq3A_285 = arith.cmpi eq, %select_n3A_271, %mul3A_284 : vector<1x23xi32>
    %convert_element_type3A_286 = arith.extui %eq3A_285 : vector<1x23xi1> to vector<1x23xi32>
    %jit3A_287 = arith.constant 0 : i32
    %broadcast_in_dim3A_288 = vector.broadcast %jit3A_287 : i32 to vector<1x23xi32>
    %select_n3A_289 = arith.select %lt3A_260, %min3A_223, %broadcast_in_dim3A_288 : vector<1x23xi1>, vector<1x23xi32>
    %broadcast_in_dim3A_290 = arith.constant 0 : i32
    %broadcast_in_dim3A_291 = vector.broadcast %broadcast_in_dim3A_290 : i32 to vector<8x128xi32>
    %swap3A_292 = arith.constant 0 : index
    %swap3A_293 = arith.constant 0 : index
    %swap3A_294 = vector.load %arg3[%swap3A_292, %swap3A_293] : memref<8x128xi32, #tpu.memory_space<vmem>>, vector<8x128xi32>
    tpu.vector_store %arg3[%swap3A_292, %swap3A_293], %broadcast_in_dim3A_291 {strides = array<i32>} : memref<8x128xi32, #tpu.memory_space<vmem>>, vector<8x128xi32>,
    %swap3A_295 = arith.constant 0 : index
    %swap3A_296 = arith.constant 0 : index
    %swap3A_297 = vector.load %arg3[%swap3A_295, %swap3A_296] : memref<8x128xi32, #tpu.memory_space<vmem>>, vector<1x23xi32>
    tpu.vector_store %arg3[%swap3A_295, %swap3A_296], %select_n3A_265 {strides = array<i32>} : memref<8x128xi32, #tpu.memory_space<vmem>>, vector<1x23xi32>,
    %swap3A_298 = arith.constant 1 : index
    %swap3A_299 = arith.constant 0 : index
    %swap3A_300 = vector.load %arg3[%swap3A_298, %swap3A_299] : memref<8x128xi32, #tpu.memory_space<vmem>>, vector<1x23xi32>
    tpu.vector_store %arg3[%swap3A_298, %swap3A_299], %select_n3A_289 {strides = array<i32>} : memref<8x128xi32, #tpu.memory_space<vmem>>, vector<1x23xi32>,
    %swap3A_301 = arith.constant 2 : index
    %swap3A_302 = arith.constant 0 : index
    %swap3A_303 = vector.load %arg3[%swap3A_301, %swap3A_302] : memref<8x128xi32, #tpu.memory_space<vmem>>, vector<1x23xi32>
    tpu.vector_store %arg3[%swap3A_301, %swap3A_302], %select_n3A_271 {strides = array<i32>} : memref<8x128xi32, #tpu.memory_space<vmem>>, vector<1x23xi32>,
    %swap3A_304 = arith.constant 3 : index
    %swap3A_305 = arith.constant 0 : index
    %swap3A_306 = vector.load %arg3[%swap3A_304, %swap3A_305] : memref<8x128xi32, #tpu.memory_space<vmem>>, vector<1x23xi32>
    tpu.vector_store %arg3[%swap3A_304, %swap3A_305], %select_n3A_281 {strides = array<i32>} : memref<8x128xi32, #tpu.memory_space<vmem>>, vector<1x23xi32>,
    %swap3A_307 = arith.constant 4 : index
    %swap3A_308 = arith.constant 0 : index
    %swap3A_309 = vector.load %arg3[%swap3A_307, %swap3A_308] : memref<8x128xi32, #tpu.memory_space<vmem>>, vector<1x23xi32>
    tpu.vector_store %arg3[%swap3A_307, %swap3A_308], %convert_element_type3A_286 {strides = array<i32>} : memref<8x128xi32, #tpu.memory_space<vmem>>, vector<1x23xi32>,
    return
  }
}

</mosaic_0001>

<sc_bundles>
// kernel: kernel.6.cloned.1.call-start
scs
__scs_entry_jumppad:
0x0: {  	(pc) =	sbr.rel $0x88, $3  }
0x1: {  	(tag) =	ssettag $0x0;
	lr =	simm.s32 $0x1  }
0x2: {  	[smem:$0x3F9C] =	sst lr;
	_ =	strace $0xD0000000  }
0x3: {  	_ = 	snop  }
0x4: {  	_ = 	snop  }
0x5: {  	_ = 	snop  }
0x6: {  	_ = 	snop  }
0x7: {  	_ = 	snop  }
__scs_overlays_trampoline_lowered:
0x8: {  	[smem:$0x3FAB] =	sst s0  }
0x9: {  	[smem:$0x3FAC] =	sst s1  }
0xa: {  	[smem:$0x3FAD] =	sst s2  }
0xb: {  	[smem:$0x3FAE] =	sst s3  }
0xc: {  	[smem:$0x3FAF] =	sst s4  }
0xd: {  	[smem:$0x3FB0] =	sst s5  }
0xe: {  	[smem:$0x3FB1] =	sst s6  }
0xf: {  	[smem:$0x3FB2] =	sst s7  }
0x10: {  	[smem:$0x3FB3] =	sst s8  }
0x11: {  	[smem:$0x3FB4] =	sst s9;
	s0 =	simm.s32 @!p0 $0x0  }
0x12: {  	s1 =	sld [smem:$0x3F9A];
	s0 =	simm.s32 @p0 $0x1  }
0x13: {  	[smem:$0x3FB5] =	sst s0;
	s0 =	simm.s32 @!p1 $0x0  }
0x14: {  	s2 =	sld [smem:$0x3F99];
	s0 =	simm.s32 @p1 $0x1  }
0x15: {  	[smem:$0x3FB6] =	sst s0;
	s0 =	simm.s32 @!p2 $0x0  }
0x16: {  	s3 =	sld [smem:$0x3FDB];
	s0 =	simm.s32 @p2 $0x1  }
0x17: {  	s4 =	simm.s32 $0x1BF5;
	[smem:$0x3FB8] =	sst s0  }
0x18: {  	s0 =	sld [smem:$0x3F9B];
	_ =	swait.ge [sflag:s4], $0x0  }
0x19: {  	s7 =	sld [smem:$0x3F9C]  }
0x1a: {  	s8 =	sadd.s32 $0xFFFFE003, lr  }
0x1b: {  	s9 =	sadd.s32 $0xFFFFFEF7, lr;
	s5 =	simm.s32 $0xFFFFFFFF;
	p2 =	slt.u32 s8, $0xFFFFF086  }
0x1c: {  	p1 =	slt.u32 s9, $0xF7A;
	s5 =	simm.s32 @!p2 $0x0  }
0x1d: {  	s5 =	simm.s32 @p1 $0x1;
	p0 =	seq.s32 s7, s2  }
0x1e: {  	s7 =	smul.u32 @!p0 $0xF7A, s2;
	p2 =	seq.s32 @!p0 s5, $0x0  }
0x1f: {  	s9 =	smul.u32 $0xF7A, s1;
	s8 =	simm.s32 @!p0 $0x1BF5;
	p2 =	por !p2, p0  }
0x20: {  	[sflag:s8] =	ssyncset.s32 @!p0 $0xFFFFF086;
	s6 =	sadd.s32 @!p0 s3, s7;
	s7 =	simm.s32 @!p0 $0x108  }
0x21: {  	s3 =	sadd.s32 s3, s9;
	s6 =	sadd.s32 @!p0 $0x88, s6;
	s7 =	simm.s32 @p2 $0x1082  }
0x22: {  	[simem:s7], [sflag:s8] =	dma.local @!p0 [hbm:s6], $0xF7A  }
0x23: {  	s9 =	sor.u32 $0xD0000000, s2;
	s6 =	simm.s32 $0x108;
	_ =	swait.ge @!p0 [sflag:s8], $0x0  }
0x24: {  	s3 =	sadd.s32 $0x88, s3;
	s6 =	simm.s32 @!p1 $0x1082;
	[sflag:s4] =	ssyncset.s32 $0xFFFFF086  }
0x25: {  	[simem:s6], [sflag:s4] =	dma.local [hbm:s3], $0xF7A  }
0x26: {  	[smem:$0x3F9C] =	sst s1;
	(tag) =	ssettag s2;
	_ =	strace s9  }
0x27: {  	s1 =	sld [smem:$0x3FAC]  }
0x28: {  	s2 =	sld [smem:$0x3FAD]  }
0x29: {  	s4 =	sld [smem:$0x3FAF]  }
0x2a: {  	p0 =	seq.s32 s5, $0x0;
	s5 =	sld [smem:$0x3FB0]  }
0x2b: {  	s6 =	sld [smem:$0x3FB1]  }
0x2c: {  	s7 =	sld [smem:$0x3FB2]  }
0x2d: {  	s3 =	simm.s32 $0x108;
	s8 =	sld [smem:$0x3FB3]  }
0x2e: {  	s3 =	simm.s32 @!p0 $0x1082;
	s9 =	sld [smem:$0x3FB4]  }
0x2f: {  	lr =	sadd.s32 s0, s3;
	s0 =	sld [smem:$0x3FAB]  }
0x30: {  	s3 =	sld [smem:$0x3FAE]  }
0x31: {  	[smem:$0x3FB7] =	sst s10  }
0x32: {  	s10 =	sld [smem:$0x3FB5];
	_ =	sdelay $0x3  }
0x33: {  	p0 =	seq.s32 s10, $0x1;
	s10 =	sld [smem:$0x3FB7];
	_ =	sdelay $0x3  }
0x34: {  	[smem:$0x3FB7] =	sst s10  }
0x35: {  	s10 =	sld [smem:$0x3FB6];
	_ =	sdelay $0x3  }
0x36: {  	p1 =	seq.s32 s10, $0x1;
	s10 =	sld [smem:$0x3FB7];
	_ =	sdelay $0x3  }
0x37: {  	[smem:$0x3FB7] =	sst s10  }
0x38: {  	s10 =	sld [smem:$0x3FB8]  }
0x39: {  	_ = 	snop;
	(pc) =	sbr.ind lr, $3  }
0x3a: {  	_ = 	snop  }
0x3b: {  	_ = 	snop  }
0x3c: {  	p2 =	seq.s32 s10, $0x1;
	s10 =	sld [smem:$0x3FB7]  }
0x3d: {  	_ =	shalt  }
0x3e: {  	_ =	shalt  }
0x3f: {  	_ =	shalt  }
0x40: {  	_ =	shalt  }
0x41: {  	_ =	shalt  }
0x42: {  	_ =	shalt  }
0x43: {  	_ =	shalt  }
0x44: {  	_ =	shalt  }
0x45: {  	_ =	shalt  }
0x46: {  	_ =	shalt  }
0x47: {  	_ =	shalt  }
0x48: {  	_ =	shalt  }
0x49: {  	_ =	shalt  }
0x4a: {  	_ =	shalt  }
0x4b: {  	_ =	shalt  }
0x4c: {  	_ =	shalt  }
0x4d: {  	_ =	shalt  }
0x4e: {  	_ =	shalt  }
0x4f: {  	_ =	shalt  }
0x50: {  	_ =	shalt  }
0x51: {  	_ =	shalt  }
0x52: {  	_ =	shalt  }
0x53: {  	_ =	shalt  }
0x54: {  	_ =	shalt  }
0x55: {  	_ =	shalt  }
0x56: {  	_ =	shalt  }
0x57: {  	_ =	shalt  }
0x58: {  	_ =	shalt  }
0x59: {  	_ =	shalt  }
0x5a: {  	_ =	shalt  }
0x5b: {  	_ =	shalt  }
0x5c: {  	_ =	shalt  }
0x5d: {  	_ =	shalt  }
0x5e: {  	_ =	shalt  }
0x5f: {  	_ =	shalt  }
0x60: {  	_ =	shalt  }
0x61: {  	_ =	shalt  }
0x62: {  	_ =	shalt  }
0x63: {  	_ =	shalt  }
0x64: {  	_ =	shalt  }
0x65: {  	_ =	shalt  }
0x66: {  	_ =	shalt  }
0x67: {  	_ =	shalt  }
0x68: {  	_ =	shalt  }
0x69: {  	_ =	shalt  }
0x6a: {  	_ =	shalt  }
0x6b: {  	_ =	shalt  }
0x6c: {  	_ =	shalt  }
0x6d: {  	_ =	shalt  }
0x6e: {  	_ =	shalt  }
0x6f: {  	_ =	shalt  }
0x70: {  	_ =	shalt  }
0x71: {  	_ =	shalt  }
0x72: {  	_ =	shalt  }
0x73: {  	_ =	shalt  }
0x74: {  	_ =	shalt  }
0x75: {  	_ =	shalt  }
0x76: {  	_ =	shalt  }
0x77: {  	_ =	shalt  }
0x78: {  	_ =	shalt  }
0x79: {  	_ =	shalt  }
0x7a: {  	_ =	shalt  }
0x7b: {  	_ =	shalt  }
0x7c: {  	_ =	shalt  }
0x7d: {  	_ =	shalt  }
0x7e: {  	_ =	shalt  }
0x7f: {  	_ =	shalt  }
0x80: {  	_ =	shalt  }
0x81: {  	_ =	shalt  }
0x82: {  	_ =	shalt  }
0x83: {  	_ =	shalt  }
0x84: {  	_ =	shalt  }
0x85: {  	_ =	shalt  }
0x86: {  	_ =	shalt  }
0x87: {  	_ =	shalt  }
.Lfunc_end0:
.L_simem_size_0:
called_computation_lowered:
.L_overlay_start_0:
0x88: {  	s2 =	sld [smem:$0x3FD9]  }
0x89: {  	s3 =	sld [smem:$0x3FFE];
	_ =	sdelay $0x1  }
0x8a: {  	s1 =	srdreg.scid  }
0x8b: {  	s0 =	sand.u32 $0x1, s1  }
0x8c: {  	s17 =	sshll.u32 s0, $0xA;
	s2 =	sadd.s32 s3, s2  }
0x8d: {  	s2 =	sadd.s32 s2, s17  }
0x8e: {  	[smem:$0x3FC3] =	sst s2  }
0x8f: {  	_ = 	snop  }
0x90: {  	s2 =	sld [smem:$0x3FD0];
	(tm) =	ssettm $0x1  }
0x91: {  	s18 =	sld [smem:$0x3FFB];
	_ =	sdelay $0x3  }
0x92: {  	_ =	strace s18  }
0x93: {  	s3 =	sld [smem:$0x3FFC];
	_ =	sdelay $0x3  }
0x94: {  	_ =	strace s3  }
0x95: {  	s3 =	sld [smem:$0x3FFD];
	_ =	sdelay $0x3  }
0x96: {  	_ =	strace s3  }
0x97: {  	_ =	strace $0x8FFFFFFF  }
0x98: {  	s19 =	sld [smem:$0x3FDB];
	_ =	sdelay $0x1  }
0x99: {  	s4 =	simm.s32 $_scs_section_size  }
0x9a: {  	s5 =	simm.s32 $_size__tile_overlayer_lowered;
	s6 =	simm.s32 $_tile_overlayer_lowered  }
0x9b: {  	s22 =	simm.s32 $0x1BFF;
	s21 =	sshll.u32 s6, $0x1;
	s3 =	sadd.s32 s4, s19  }
0x9c: {  	s7 =	simm.s32 $0x0;
	s20 =	sshll.u32 s5, $0x1;
	s5 =	sadd.s32 s21, s3  }
0x9d: {  	[timem:s7], [sflag:s22] =	dma.local [hbm:s5], s20  }
0x9e: {  	_ =	swait.ge [sflag:s22], s20  }
0x9f: {  	s4 =	ssub.s32 $0x0, s20;
	[sflag:s22] =	ssyncset.done $0x0  }
0xa0: {  	[sflag:s22] =	ssyncadd.s32 s4;
	_ =	sdelay $0x1  }
0xa1: {  	s23 =	simm.s32 $0x1B8B  }
0xa2: {  	_ =	swait.ge [sflag:s23], $0x1  }
0xa3: {  	[sflag:s23] =	ssyncset.done $0x0  }
0xa4: {  	s25 =	simm.s32 $0x1B8E;
	s24 =	sld [smem:$0x3FFE];
	[sflag:s23] =	ssyncadd.s32 $0xFFFFFFFF  }
0xa5: {  	s26 =	simm.s32 $execute0_lowered;
	[smem:$0x3FD2] =	sst s25  }
0xa6: {  	s5 =	sshll.u32 s26, $0x1;
	_ =	strace $0x80000046;
	[dreg:$0x1] =	wrdreg $0xFFFFFFFF  }
0xa7: {  	s28 =	simm.s32 $_size_execute0_lowered;
	s3 =	sadd.s32 s3, s5;
	[dreg:$0x0] =	wrdreg $0x0  }
0xa8: {  	s5 =	sshll.u32 s28, $0x1;
	[dreg:$0x2] =	wrdreg s3  }
0xa9: {  	[dreg:$0x3] =	wrdreg s5  }
0xaa: {  	[dreg:$0x4] =	wrdreg $0xC0  }
0xab: {  	_ =	task [dreg:s7], $0x5FFFF  }
0xac: {  	[dreg:$0x1] =	wrdreg $0xFFFFFFFF  }
0xad: {  	[dreg:$0x0] =	wrdreg $0x60  }
0xae: {  	[dreg:$0x2] =	wrdreg s2  }
0xaf: {  	[dreg:$0x3] =	wrdreg s24  }
0xb0: {  	[dreg:$0x4] =	wrdreg $0x9  }
0xb1: {  	_ =	task.clear_ibuf [dreg:s7], $0x5FFFF;
	_ =	strace $0x90000046  }
0xb2: {  	s29 =	simm.s32 $0x9;
	_ =	strace $0x80000048  }
0xb3: {  	_ =	swait.ge [sflag:s29], $0x1  }
0xb4: {  	[sflag:s29] =	ssyncadd.s32 $0xFFFFFFFF  }
0xb5: {  	_ =	strace $0x90000048  }
0xb6: {  	_ =	sfence  }
0xb7: {  	s30 =	sld [smem:$0x0];
	_ =	sdelay $0x2  }
0xb8: {  	s31 =	sshll.u32 s1, $0xD;
	s1 =	sshrl.u32 s1, $0x2  }
0xb9: {  	s3 =	sand.u32 $0x4000, s31;
	s1 =	sadd.s32 s1, s30  }
0xba: {  	s0 =	sor.u32 s3, s0;
	s1 =	sshll.u32 s1, $0x11  }
0xbb: {  	s0 =	sor.u32 s1, s0  }
0xbc: {  	s0 =	sadd.s32 $0x8F2B, s0  }
0xbd: {  	[sflag:s0] =	ssyncadd.remote.s32 $0x1  }
0xbe: {  	_ =	sfence.sel $0xFFFF  }
0xbf: {  	[dreg:$0x0] =	wrdreg $0xFFFFFFFF;
	(pc) =	sbr.abs _section_cstart, $3  }
0xc0: {  	[dreg:$0x1] =	wrdreg $0xFFFFFFFF  }
0xc1: {  	_ =	task.clear_ibuf [dreg:s7], $0x2FFFF;
	_ =	strace $0x9FFFFFFF  }
0xc2: {  	(tm) =	ssettm $0x7FFFFFFF  }
0xc3: {  	_ =	shalt  }
tec
execute0_lowered:
.L_overlay_start_1:
0x0: {  	(tag) =	ssettag $0x1  }
0x1: {  	s5 =	rddreg [dreg:$0x0]  }
0x2: {  	s6 =	rddreg [dreg:$0x1]  }
0x3: {  	s0 =	rddreg [dreg:$0x2];
	s3 =	srdreg.scid  }
0x4: {  	s2 =	simm.s32 $0x0;
	s1 =	stileid.u32;
	s11 =	simm.s32 $0xC80  }
0x5: {  	s12 =	simm.s32 $0x1480;
	s13 =	simm.s32 $0x1880;
	s14 =	simm.s32 $0x2080  }
0x6: {  	s15 =	simm.s32 $0x2480;
	s16 =	simm.s32 $0x2C80;
	s17 =	simm.s32 $0x3080  }
0x7: {  	s18 =	simm.s32 $0x3880;
	s19 =	simm.s32 $0x3C80;
	s20 =	simm.s32 $0x4480  }
0x8: {  	s21 =	simm.s32 $0x4880;
	s22 =	simm.s32 $0x5080;
	s23 =	simm.s32 $0x5480  }
0x9: {  	s24 =	simm.s32 $0x5C80;
	s25 =	simm.s32 $0x1;
	s3 =	sand.u32 $0x1, s3  }
0xa: {  	[smem:$0x7FF] =	sst s2;
	s4 =	sshll.u32 s1, $0x4;
	s7 =	sshll.u32 s3, $0x3  }
0xb: {  	_ =	strace $0x80000047;
	s31 =	ssub.s32 $0x2, s3;
	s4 =	sor.u32 s7, s4  }
0xc: {  	s3 =	sadd.s32 $0x1200, s6;
	s9 =	sshrl.u32 s31, $0x1;
	s8 =	sadd.s32 s4, s6  }
0xd: {  	v2 =	vlaneseq.u32;
	s10 =	smul.u32 $0x180, s4;
	s7 =	ssub.s32 s31, s9;
	s6 =	sadd.s32 $0x1300, s6  }
0xe: {  	vm0 =	vmmov $0xffff;
	vm1 =	vmmov $0xff;
	v1 =	vshrl.u32 v2, $0x3;
	s9 =	simm.s32 $0x80;
	s4 =	sadd.s32 $0x1000, s8;
	s7 =	smax.u32 s7, $0x1  }
0xf: {  	v0 =	vand.u32 $0x7, v2;
	v2 =	vor.u32 $0x8, v2;
	v1 =	vmul.u32 $0x8, v1;
	s8 =	simm.s32 $0x2;
	s5 =	sadd.s32 s5, s10;
	s10 =	simm.s32 $0x880  }
.LBB2_1:
0x10: {  	[tilespmem:s2], [sflag:$0x2] =	stream.linear.gather [hbm4b:s4+s2], $0x40, $0x38;
	[tilespmem:$0x6080] =	vst v63  }
0x11: {  	_ =	swait.ge [sflag:s8], $0x40  }
0x12: {  	[sflag:s8] =	ssyncset.done $0x0  }
0x13: {  	[sflag:s8] =	ssyncadd.s32 $0xFFFFFFC0  }
0x14: {  	[tilespmem:s9], [sflag:$0x2] =	stream.linear.gather [hbm4b:s5+s2], $0x6000, $0x38;
	[tilespmem:$0x6080] =	vst v63  }
0x15: {  	_ =	swait.ge [sflag:s8], $0x6000  }
0x16: {  	[sflag:s8] =	ssyncset.done $0x0  }
0x17: {  	[sflag:s8] =	ssyncadd.s32 $0xFFFFA000  }
0x18: {  	v3 =	vld [tilespmem:$0x0];
	_ =	sdelay $0x4  }
0x19: {  	v4 =	vshrl.u32 v3, $0x3  }
0x1a: {  	v4 =	vmul.u32 $0x18, v4  }
0x1b: {  	v3 =	vand.u32 $0x7, v3  }
0x1c: {  	v3 =	vor.u32 v3, v4  }
0x1d: {  	v4 =	vperm.xlane v3, v0;
	_ =	sdelay $0x1  }
0x1e: {  	v4 =	vadd.s32 v1, v4;
	_ =	sdelay $0x1  }
0x1f: {  	v3 =	vperm.xlane v3, v2;
	_ =	sdelay $0x1  }
0x20: {  	v3 =	vadd.s32 v1, v3  }
0x21: {  	[hbm4b:s3+s2] =	stream.indirect_vreg.scatter [tilespmem:s9], [sflag:$0x1], $0x80, v4, vm0, $0xb8;
	[tilespmem:$0x6080] =	vst v63  }
0x22: {  	_ = 	snop  }
0x23: {  	[hbm4b:s6+s2] =	stream.indirect_vreg.scatter [tilespmem:s10], [sflag:$0x1], $0x80, v4, vm1, $0xb8;
	[tilespmem:$0x6080] =	vst v63  }
0x24: {  	_ = 	snop  }
0x25: {  	[hbm4b:s3+s2] =	stream.indirect_vreg.scatter [tilespmem:s11], [sflag:$0x1], $0x80, v3, vm0, $0xb8;
	[tilespmem:$0x6080] =	vst v63  }
0x26: {  	_ = 	snop  }
0x27: {  	[hbm4b:s6+s2] =	stream.indirect_vreg.scatter [tilespmem:s12], [sflag:$0x1], $0x80, v3, vm1, $0xb8;
	[tilespmem:$0x6080] =	vst v63  }
0x28: {  	v3 =	vld [tilespmem:$0x10];
	_ =	sdelay $0x4  }
0x29: {  	v61 =	vshrl.u32 v3, $0x3  }
0x2a: {  	v4 =	vmul.u32 $0x18, v61  }
0x2b: {  	v3 =	vand.u32 $0x7, v3  }
0x2c: {  	v3 =	vor.u32 v3, v4  }
0x2d: {  	v4 =	vperm.xlane v3, v0;
	_ =	sdelay $0x1  }
0x2e: {  	v4 =	vadd.s32 v1, v4;
	_ =	sdelay $0x1  }
0x2f: {  	v3 =	vperm.xlane v3, v2;
	_ =	sdelay $0x1  }
0x30: {  	v3 =	vadd.s32 v1, v3  }
0x31: {  	[hbm4b:s3+s2] =	stream.indirect_vreg.scatter [tilespmem:s13], [sflag:$0x1], $0x80, v4, vm0, $0xb8;
	[tilespmem:$0x6080] =	vst v63  }
0x32: {  	_ = 	snop  }
0x33: {  	[hbm4b:s6+s2] =	stream.indirect_vreg.scatter [tilespmem:s14], [sflag:$0x1], $0x80, v4, vm1, $0xb8;
	[tilespmem:$0x6080] =	vst v63  }
0x34: {  	_ = 	snop  }
0x35: {  	[hbm4b:s3+s2] =	stream.indirect_vreg.scatter [tilespmem:s15], [sflag:$0x1], $0x80, v3, vm0, $0xb8;
	[tilespmem:$0x6080] =	vst v63  }
0x36: {  	_ = 	snop  }
0x37: {  	[hbm4b:s6+s2] =	stream.indirect_vreg.scatter [tilespmem:s16], [sflag:$0x1], $0x80, v3, vm1, $0xb8;
	[tilespmem:$0x6080] =	vst v63  }
0x38: {  	v3 =	vld [tilespmem:$0x20];
	_ =	sdelay $0x4  }
0x39: {  	v62 =	vshrl.u32 v3, $0x3  }
0x3a: {  	v4 =	vmul.u32 $0x18, v62  }
0x3b: {  	v3 =	vand.u32 $0x7, v3  }
0x3c: {  	v3 =	vor.u32 v3, v4  }
0x3d: {  	v4 =	vperm.xlane v3, v0;
	_ =	sdelay $0x1  }
0x3e: {  	v4 =	vadd.s32 v1, v4;
	_ =	sdelay $0x1  }
0x3f: {  	v3 =	vperm.xlane v3, v2;
	_ =	sdelay $0x1  }
0x40: {  	v3 =	vadd.s32 v1, v3  }
0x41: {  	[hbm4b:s3+s2] =	stream.indirect_vreg.scatter [tilespmem:s17], [sflag:$0x1], $0x80, v4, vm0, $0xb8;
	[tilespmem:$0x6080] =	vst v63  }
0x42: {  	_ = 	snop  }
0x43: {  	[hbm4b:s6+s2] =	stream.indirect_vreg.scatter [tilespmem:s18], [sflag:$0x1], $0x80, v4, vm1, $0xb8;
	[tilespmem:$0x6080] =	vst v63  }
0x44: {  	_ = 	snop  }
0x45: {  	[hbm4b:s3+s2] =	stream.indirect_vreg.scatter [tilespmem:s19], [sflag:$0x1], $0x80, v3, vm0, $0xb8;
	[tilespmem:$0x6080] =	vst v63  }
0x46: {  	_ = 	snop  }
0x47: {  	[hbm4b:s6+s2] =	stream.indirect_vreg.scatter [tilespmem:s20], [sflag:$0x1], $0x80, v3, vm1, $0xb8;
	[tilespmem:$0x6080] =	vst v63  }
0x48: {  	v3 =	vld [tilespmem:$0x30];
	_ =	sdelay $0x4  }
0x49: {  	v63 =	vshrl.u32 v3, $0x3  }
0x4a: {  	v4 =	vmul.u32 $0x18, v63  }
0x4b: {  	v3 =	vand.u32 $0x7, v3  }
0x4c: {  	v3 =	vor.u32 v3, v4  }
0x4d: {  	v4 =	vperm.xlane v3, v0;
	_ =	sdelay $0x1  }
0x4e: {  	v4 =	vadd.s32 v1, v4;
	_ =	sdelay $0x1  }
0x4f: {  	v3 =	vperm.xlane v3, v2;
	_ =	sdelay $0x1  }
0x50: {  	v3 =	vadd.s32 v1, v3  }
0x51: {  	[hbm4b:s3+s2] =	stream.indirect_vreg.scatter [tilespmem:s21], [sflag:$0x1], $0x80, v4, vm0, $0xb8;
	[tilespmem:$0x6080] =	vst v63  }
0x52: {  	_ = 	snop  }
0x53: {  	[hbm4b:s6+s2] =	stream.indirect_vreg.scatter [tilespmem:s22], [sflag:$0x1], $0x80, v4, vm1, $0xb8;
	[tilespmem:$0x6080] =	vst v63  }
0x54: {  	p0 =	sne.s32 s7, $0x1  }
0x55: {  	[hbm4b:s3+s2] =	stream.indirect_vreg.scatter [tilespmem:s23], [sflag:$0x1], $0x80, v3, vm0, $0xb8;
	[tilespmem:$0x6080] =	vst v63  }
.Ltmp0:
0x56: {  	_ = 	snop;
	(pc) =	sbr.rel @p0 .LBB2_1-.Ltmp0, $4  }
0x57: {  	[hbm4b:s6+s2] =	stream.indirect_vreg.scatter [tilespmem:s24], [sflag:$0x1], $0x80, v3, vm1, $0xb8;
	[tilespmem:$0x6080] =	vst v63  }
0x58: {  	_ =	swait.ge [sflag:s25], $0x6000  }
0x59: {  	[sflag:s25] =	ssyncset.done $0x0  }
0x5a: {  	s7 =	sadd.s32 $0xFFFFFFFF, s7;
	[sflag:s25] =	ssyncadd.s32 $0xFFFFA000  }
0x5b: {  	_ =	sfence.sel $0x180000  }
0x5c: {  	[bflag:$0x0] =	sbarrier.arrive $0xFFFF  }
0x5d: {  	p0 =	sne.s32 s1, $0x0;
	_ =	strace $0x90000047  }
0x5e: {  	s0 =	sadd.s32 @!p0 $0x100000, s0;
	[bflag:$0x2] =	sbarrier.arrive $0xFFFF  }
0x5f: {  	[sflag:s0] =	ssyncadd.tile.s32 @!p0 $0x1;
	_ =	shalt  }
.Lfunc_end2:
_tile_overlayer_lowered:
.L_overlay_start_2:
0x60: {  	(tag) =	ssettag $0x2  }
0x61: {  	s0 =	rddreg [dreg:$0x0];
	s2 =	stileid.u32  }
0x62: {  	s1 =	rddreg [dreg:$0x1];
	p0 =	sne.s32 s2, $0x0  }
0x63: {  	s3 =	rddreg [dreg:$0x2];
	[bflag:$0x3] =	sbarrier.arrive $0xFFFF;
	s2 =	simm.s32 @!p0 $0x1C02  }
0x64: {  	[timem:s3], [sflag:s2] =	dma.local @!p0 [hbm:s0], s1  }
0x65: {  	s0 =	simm.s32 @!p0 $0x2  }
0x66: {  	_ =	swait.ge @!p0 [sflag:s0], s1  }
0x67: {  	s1 =	ssub.s32 @!p0 $0x0, s1;
	[sflag:s0] =	ssyncset.done @!p0 $0x0  }
0x68: {  	[sflag:s0] =	ssyncadd.s32 @!p0 s1  }
0x69: {  	[bflag:$0x3] =	sbarrier.arrive $0xFFFF  }
0x6a: {  	_ =	shalt  }

// kernel: kernel.9.cloned.1.call-start
scs
__scs_entry_jumppad:
0x0: {  	(pc) =	sbr.rel $0x88, $3  }
0x1: {  	(tag) =	ssettag $0x0;
	lr =	simm.s32 $0x1  }
0x2: {  	[smem:$0x3F9C] =	sst lr;
	_ =	strace $0xD0000000  }
0x3: {  	_ = 	snop  }
0x4: {  	_ = 	snop  }
0x5: {  	_ = 	snop  }
0x6: {  	_ = 	snop  }
0x7: {  	_ = 	snop  }
__scs_overlays_trampoline_lowered:
0x8: {  	[smem:$0x3FAB] =	sst s0  }
0x9: {  	[smem:$0x3FAC] =	sst s1  }
0xa: {  	[smem:$0x3FAD] =	sst s2  }
0xb: {  	[smem:$0x3FAE] =	sst s3  }
0xc: {  	[smem:$0x3FAF] =	sst s4  }
0xd: {  	[smem:$0x3FB0] =	sst s5  }
0xe: {  	[smem:$0x3FB1] =	sst s6  }
0xf: {  	[smem:$0x3FB2] =	sst s7  }
0x10: {  	[smem:$0x3FB3] =	sst s8  }
0x11: {  	[smem:$0x3FB4] =	sst s9;
	s0 =	simm.s32 @!p0 $0x0  }
0x12: {  	s1 =	sld [smem:$0x3F9A];
	s0 =	simm.s32 @p0 $0x1  }
0x13: {  	[smem:$0x3FB5] =	sst s0;
	s0 =	simm.s32 @!p1 $0x0  }
0x14: {  	s2 =	sld [smem:$0x3F99];
	s0 =	simm.s32 @p1 $0x1  }
0x15: {  	[smem:$0x3FB6] =	sst s0;
	s0 =	simm.s32 @!p2 $0x0  }
0x16: {  	s3 =	sld [smem:$0x3FDB];
	s0 =	simm.s32 @p2 $0x1  }
0x17: {  	s4 =	simm.s32 $0x1BF5;
	[smem:$0x3FB8] =	sst s0  }
0x18: {  	s0 =	sld [smem:$0x3F9B];
	_ =	swait.ge [sflag:s4], $0x0  }
0x19: {  	s7 =	sld [smem:$0x3F9C]  }
0x1a: {  	s8 =	sadd.s32 $0xFFFFE003, lr  }
0x1b: {  	s9 =	sadd.s32 $0xFFFFFEF7, lr;
	s5 =	simm.s32 $0xFFFFFFFF;
	p2 =	slt.u32 s8, $0xFFFFF086  }
0x1c: {  	p1 =	slt.u32 s9, $0xF7A;
	s5 =	simm.s32 @!p2 $0x0  }
0x1d: {  	s5 =	simm.s32 @p1 $0x1;
	p0 =	seq.s32 s7, s2  }
0x1e: {  	s7 =	smul.u32 @!p0 $0xF7A, s2;
	p2 =	seq.s32 @!p0 s5, $0x0  }
0x1f: {  	s9 =	smul.u32 $0xF7A, s1;
	s8 =	simm.s32 @!p0 $0x1BF5;
	p2 =	por !p2, p0  }
0x20: {  	[sflag:s8] =	ssyncset.s32 @!p0 $0xFFFFF086;
	s6 =	sadd.s32 @!p0 s3, s7;
	s7 =	simm.s32 @!p0 $0x108  }
0x21: {  	s3 =	sadd.s32 s3, s9;
	s6 =	sadd.s32 @!p0 $0x88, s6;
	s7 =	simm.s32 @p2 $0x1082  }
0x22: {  	[simem:s7], [sflag:s8] =	dma.local @!p0 [hbm:s6], $0xF7A  }
0x23: {  	s9 =	sor.u32 $0xD0000000, s2;
	s6 =	simm.s32 $0x108;
	_ =	swait.ge @!p0 [sflag:s8], $0x0  }
0x24: {  	s3 =	sadd.s32 $0x88, s3;
	s6 =	simm.s32 @!p1 $0x1082;
	[sflag:s4] =	ssyncset.s32 $0xFFFFF086  }
0x25: {  	[simem:s6], [sflag:s4] =	dma.local [hbm:s3], $0xF7A  }
0x26: {  	[smem:$0x3F9C] =	sst s1;
	(tag) =	ssettag s2;
	_ =	strace s9  }
0x27: {  	s1 =	sld [smem:$0x3FAC]  }
0x28: {  	s2 =	sld [smem:$0x3FAD]  }
0x29: {  	s4 =	sld [smem:$0x3FAF]  }
0x2a: {  	p0 =	seq.s32 s5, $0x0;
	s5 =	sld [smem:$0x3FB0]  }
0x2b: {  	s6 =	sld [smem:$0x3FB1]  }
0x2c: {  	s7 =	sld [smem:$0x3FB2]  }
0x2d: {  	s3 =	simm.s32 $0x108;
	s8 =	sld [smem:$0x3FB3]  }
0x2e: {  	s3 =	simm.s32 @!p0 $0x1082;
	s9 =	sld [smem:$0x3FB4]  }
0x2f: {  	lr =	sadd.s32 s0, s3;
	s0 =	sld [smem:$0x3FAB]  }
0x30: {  	s3 =	sld [smem:$0x3FAE]  }
0x31: {  	[smem:$0x3FB7] =	sst s10  }
0x32: {  	s10 =	sld [smem:$0x3FB5];
	_ =	sdelay $0x3  }
0x33: {  	p0 =	seq.s32 s10, $0x1;
	s10 =	sld [smem:$0x3FB7];
	_ =	sdelay $0x3  }
0x34: {  	[smem:$0x3FB7] =	sst s10  }
0x35: {  	s10 =	sld [smem:$0x3FB6];
	_ =	sdelay $0x3  }
0x36: {  	p1 =	seq.s32 s10, $0x1;
	s10 =	sld [smem:$0x3FB7];
	_ =	sdelay $0x3  }
0x37: {  	[smem:$0x3FB7] =	sst s10  }
0x38: {  	s10 =	sld [smem:$0x3FB8]  }
0x39: {  	_ = 	snop;
	(pc) =	sbr.ind lr, $3  }
0x3a: {  	_ = 	snop  }
0x3b: {  	_ = 	snop  }
0x3c: {  	p2 =	seq.s32 s10, $0x1;
	s10 =	sld [smem:$0x3FB7]  }
0x3d: {  	_ =	shalt  }
0x3e: {  	_ =	shalt  }
0x3f: {  	_ =	shalt  }
0x40: {  	_ =	shalt  }
0x41: {  	_ =	shalt  }
0x42: {  	_ =	shalt  }
0x43: {  	_ =	shalt  }
0x44: {  	_ =	shalt  }
0x45: {  	_ =	shalt  }
0x46: {  	_ =	shalt  }
0x47: {  	_ =	shalt  }
0x48: {  	_ =	shalt  }
0x49: {  	_ =	shalt  }
0x4a: {  	_ =	shalt  }
0x4b: {  	_ =	shalt  }
0x4c: {  	_ =	shalt  }
0x4d: {  	_ =	shalt  }
0x4e: {  	_ =	shalt  }
0x4f: {  	_ =	shalt  }
0x50: {  	_ =	shalt  }
0x51: {  	_ =	shalt  }
0x52: {  	_ =	shalt  }
0x53: {  	_ =	shalt  }
0x54: {  	_ =	shalt  }
0x55: {  	_ =	shalt  }
0x56: {  	_ =	shalt  }
0x57: {  	_ =	shalt  }
0x58: {  	_ =	shalt  }
0x59: {  	_ =	shalt  }
0x5a: {  	_ =	shalt  }
0x5b: {  	_ =	shalt  }
0x5c: {  	_ =	shalt  }
0x5d: {  	_ =	shalt  }
0x5e: {  	_ =	shalt  }
0x5f: {  	_ =	shalt  }
0x60: {  	_ =	shalt  }
0x61: {  	_ =	shalt  }
0x62: {  	_ =	shalt  }
0x63: {  	_ =	shalt  }
0x64: {  	_ =	shalt  }
0x65: {  	_ =	shalt  }
0x66: {  	_ =	shalt  }
0x67: {  	_ =	shalt  }
0x68: {  	_ =	shalt  }
0x69: {  	_ =	shalt  }
0x6a: {  	_ =	shalt  }
0x6b: {  	_ =	shalt  }
0x6c: {  	_ =	shalt  }
0x6d: {  	_ =	shalt  }
0x6e: {  	_ =	shalt  }
0x6f: {  	_ =	shalt  }
0x70: {  	_ =	shalt  }
0x71: {  	_ =	shalt  }
0x72: {  	_ =	shalt  }
0x73: {  	_ =	shalt  }
0x74: {  	_ =	shalt  }
0x75: {  	_ =	shalt  }
0x76: {  	_ =	shalt  }
0x77: {  	_ =	shalt  }
0x78: {  	_ =	shalt  }
0x79: {  	_ =	shalt  }
0x7a: {  	_ =	shalt  }
0x7b: {  	_ =	shalt  }
0x7c: {  	_ =	shalt  }
0x7d: {  	_ =	shalt  }
0x7e: {  	_ =	shalt  }
0x7f: {  	_ =	shalt  }
0x80: {  	_ =	shalt  }
0x81: {  	_ =	shalt  }
0x82: {  	_ =	shalt  }
0x83: {  	_ =	shalt  }
0x84: {  	_ =	shalt  }
0x85: {  	_ =	shalt  }
0x86: {  	_ =	shalt  }
0x87: {  	_ =	shalt  }
.Lfunc_end0:
.L_simem_size_0:
called_computation.1_lowered:
.L_overlay_start_0:
0x88: {  	s2 =	sld [smem:$0x3FD9]  }
0x89: {  	s3 =	sld [smem:$0x3FFE];
	_ =	sdelay $0x1  }
0x8a: {  	s1 =	srdreg.scid  }
0x8b: {  	s0 =	sand.u32 $0x1, s1  }
0x8c: {  	s17 =	sshll.u32 s0, $0xA;
	s2 =	sadd.s32 s3, s2  }
0x8d: {  	s2 =	sadd.s32 s2, s17  }
0x8e: {  	[smem:$0x3FC3] =	sst s2  }
0x8f: {  	_ = 	snop  }
0x90: {  	s2 =	sld [smem:$0x3FD0];
	(tm) =	ssettm $0x1  }
0x91: {  	s18 =	sld [smem:$0x3FFB];
	_ =	sdelay $0x3  }
0x92: {  	_ =	strace s18  }
0x93: {  	s3 =	sld [smem:$0x3FFC];
	_ =	sdelay $0x3  }
0x94: {  	_ =	strace s3  }
0x95: {  	s3 =	sld [smem:$0x3FFD];
	_ =	sdelay $0x3  }
0x96: {  	_ =	strace s3  }
0x97: {  	_ =	strace $0x8FFFFFFF  }
0x98: {  	s19 =	sld [smem:$0x3FDB];
	_ =	sdelay $0x1  }
0x99: {  	s4 =	simm.s32 $_scs_section_size  }
0x9a: {  	s5 =	simm.s32 $_size__tile_overlayer_lowered;
	s6 =	simm.s32 $_tile_overlayer_lowered  }
0x9b: {  	s22 =	simm.s32 $0x1BFF;
	s21 =	sshll.u32 s6, $0x1;
	s3 =	sadd.s32 s4, s19  }
0x9c: {  	s7 =	simm.s32 $0x0;
	s20 =	sshll.u32 s5, $0x1;
	s5 =	sadd.s32 s21, s3  }
0x9d: {  	[timem:s7], [sflag:s22] =	dma.local [hbm:s5], s20  }
0x9e: {  	_ =	swait.ge [sflag:s22], s20  }
0x9f: {  	s4 =	ssub.s32 $0x0, s20;
	[sflag:s22] =	ssyncset.done $0x0  }
0xa0: {  	[sflag:s22] =	ssyncadd.s32 s4;
	_ =	sdelay $0x1  }
0xa1: {  	s23 =	simm.s32 $0x1B8B  }
0xa2: {  	_ =	swait.ge [sflag:s23], $0x1  }
0xa3: {  	[sflag:s23] =	ssyncset.done $0x0  }
0xa4: {  	s25 =	simm.s32 $0x1B8E;
	s24 =	sld [smem:$0x3FFE];
	[sflag:s23] =	ssyncadd.s32 $0xFFFFFFFF  }
0xa5: {  	s26 =	simm.s32 $execute0_lowered;
	[smem:$0x3FD2] =	sst s25  }
0xa6: {  	s5 =	sshll.u32 s26, $0x1;
	_ =	strace $0x80000049;
	[dreg:$0x1] =	wrdreg $0xFFFFFFFF  }
0xa7: {  	s28 =	simm.s32 $_size_execute0_lowered;
	s3 =	sadd.s32 s3, s5;
	[dreg:$0x0] =	wrdreg $0x0  }
0xa8: {  	s5 =	sshll.u32 s28, $0x1;
	[dreg:$0x2] =	wrdreg s3  }
0xa9: {  	[dreg:$0x3] =	wrdreg s5  }
0xaa: {  	[dreg:$0x4] =	wrdreg $0xC0  }
0xab: {  	_ =	task [dreg:s7], $0x5FFFF  }
0xac: {  	[dreg:$0x1] =	wrdreg $0xFFFFFFFF  }
0xad: {  	[dreg:$0x0] =	wrdreg $0x60  }
0xae: {  	[dreg:$0x2] =	wrdreg s24  }
0xaf: {  	[dreg:$0x3] =	wrdreg s2  }
0xb0: {  	[dreg:$0x4] =	wrdreg $0x9  }
0xb1: {  	_ =	task.clear_ibuf [dreg:s7], $0x5FFFF;
	_ =	strace $0x90000049  }
0xb2: {  	s29 =	simm.s32 $0x9;
	_ =	strace $0x8000004B  }
0xb3: {  	_ =	swait.ge [sflag:s29], $0x1  }
0xb4: {  	[sflag:s29] =	ssyncadd.s32 $0xFFFFFFFF  }
0xb5: {  	_ =	strace $0x9000004B  }
0xb6: {  	_ =	sfence  }
0xb7: {  	s30 =	sld [smem:$0x0];
	_ =	sdelay $0x2  }
0xb8: {  	s31 =	sshll.u32 s1, $0xD;
	s1 =	sshrl.u32 s1, $0x2  }
0xb9: {  	s3 =	sand.u32 $0x4000, s31;
	s1 =	sadd.s32 s1, s30  }
0xba: {  	s0 =	sor.u32 s3, s0;
	s1 =	sshll.u32 s1, $0x11  }
0xbb: {  	s0 =	sor.u32 s1, s0  }
0xbc: {  	s0 =	sadd.s32 $0x8F2B, s0  }
0xbd: {  	[sflag:s0] =	ssyncadd.remote.s32 $0x1  }
0xbe: {  	_ =	sfence.sel $0xFFFF  }
0xbf: {  	[dreg:$0x0] =	wrdreg $0xFFFFFFFF;
	(pc) =	sbr.abs _section_cstart, $3  }
0xc0: {  	[dreg:$0x1] =	wrdreg $0xFFFFFFFF  }
0xc1: {  	_ =	task.clear_ibuf [dreg:s7], $0x2FFFF;
	_ =	strace $0x9FFFFFFF  }
0xc2: {  	(tm) =	ssettm $0x7FFFFFFF  }
0xc3: {  	_ =	shalt  }
tec
execute0_lowered:
.L_overlay_start_1:
0x0: {  	(tag) =	ssettag $0x1  }
0x1: {  	s0 =	rddreg [dreg:$0x0]  }
0x2: {  	s5 =	rddreg [dreg:$0x1];
	s3 =	srdreg.scid  }
0x3: {  	s2 =	simm.s32 $0x0;
	s1 =	stileid.u32;
	s26 =	simm.s32 $0x880  }
0x4: {  	s10 =	simm.s32 $0x1880;
	s11 =	simm.s32 $0x2080;
	s12 =	simm.s32 $0x2880  }
0x5: {  	s13 =	simm.s32 $0x3080;
	s14 =	simm.s32 $0x3880;
	s15 =	simm.s32 $0x4080  }
0x6: {  	s16 =	simm.s32 $0x4880;
	s17 =	simm.s32 $0x5080;
	s18 =	simm.s32 $0x5880  }
0x7: {  	s19 =	simm.s32 $0x6080;
	s20 =	simm.s32 $0x6880;
	s21 =	simm.s32 $0x7080  }
0x8: {  	s22 =	simm.s32 $0x7880;
	s28 =	simm.s32 $0xA080;
	s29 =	simm.s32 $0xA880  }
0x9: {  	s30 =	simm.s32 $0xB080;
	s31 =	simm.s32 $0xB880;
	s3 =	sand.u32 $0x1, s3  }
0xa: {  	[smem:$0x7FF] =	sst s2;
	s4 =	sshll.u32 s1, $0x4;
	s6 =	sshll.u32 s3, $0x3  }
0xb: {  	_ =	strace $0x8000004A;
	s23 =	ssub.s32 $0x2, s3;
	s3 =	sadd.s32 $0x1200, s0  }
0xc: {  	[dreg:$0x5] =	wrdreg s26;
	s26 =	simm.s32 $0x9880;
	s4 =	sor.u32 s6, s4  }
0xd: {  	s8 =	sshrl.u32 s23, $0x1;
	s7 =	sadd.s32 s4, s0;
	s9 =	smul.u32 $0x300, s4  }
0xe: {  	s6 =	ssub.s32 s23, s8;
	s4 =	sadd.s32 $0x1300, s0;
	s8 =	simm.s32 $0x80  }
0xf: {  	s23 =	simm.s32 $0x8080;
	s24 =	sadd.s32 $0x1000, s7;
	s6 =	smax.u32 s6, $0x1  }
0x10: {  	v2 =	vlaneseq.u32;
	s7 =	simm.s32 $0x2;
	[dreg:$0x3] =	wrdreg s24;
	s25 =	sadd.s32 s5, s9  }
0x11: {  	vm0 =	vmmov $0xffff;
	v1 =	vshrl.u32 v2, $0x3;
	s5 =	sadd.s32 $0x1400, s0;
	s9 =	simm.s32 $0x1080;
	s24 =	simm.s32 $0x8880  }
0x12: {  	v0 =	vand.u32 $0x7, v2;
	v2 =	vor.u32 $0x8, v2;
	v1 =	vmul.u32 $0x8, v1;
	s0 =	simm.s32 $0x1;
	[dreg:$0x4] =	wrdreg s25;
	s25 =	simm.s32 $0x9080  }
.LBB2_1:
0x13: {  	s1 =	rddreg [dreg:$0x3]  }
0x14: {  	[tilespmem:s2], [sflag:$0x2] =	stream.linear.gather [hbm4b:s1+s2], $0x40, $0x38;
	[tilespmem:$0xC080] =	vst v63  }
0x15: {  	_ =	swait.ge [sflag:s7], $0x40  }
0x16: {  	[sflag:s7] =	ssyncset.done $0x0  }
0x17: {  	[sflag:s7] =	ssyncadd.s32 $0xFFFFFFC0  }
0x18: {  	v3 =	vld [tilespmem:$0x0];
	_ =	sdelay $0x4  }
0x19: {  	v4 =	vshrl.u32 v3, $0x3  }
0x1a: {  	v4 =	vmul.u32 $0x30, v4  }
0x1b: {  	v3 =	vand.u32 $0x7, v3  }
0x1c: {  	v3 =	vor.u32 v3, v4  }
0x1d: {  	v4 =	vperm.xlane v3, v0;
	_ =	sdelay $0x1  }
0x1e: {  	v4 =	vadd.s32 v1, v4;
	_ =	sdelay $0x3  }
0x1f: {  	v3 =	vperm.xlane v3, v2  }
0x20: {  	[tilespmem:s8], [sflag:$0x1] =	stream.indirect_vreg.gather [hbm4b:s3+s2], $0x80, v4, vm0, $0xb8;
	[tilespmem:$0xC080] =	vst v63  }
0x21: {  	s1 =	rddreg [dreg:$0x5];
	v3 =	vadd.s32 v1, v3  }
0x22: {  	[tilespmem:s1], [sflag:$0x1] =	stream.indirect_vreg.gather [hbm4b:s4+s2], $0x80, v4, vm0, $0xb8;
	[tilespmem:$0xC080] =	vst v63  }
0x23: {  	_ = 	snop  }
0x24: {  	[tilespmem:s9], [sflag:$0x1] =	stream.indirect_vreg.gather [hbm4b:s5+s2], $0x80, v4, vm0, $0xb8;
	[tilespmem:$0xC080] =	vst v63  }
0x25: {  	_ = 	snop  }
0x26: {  	[tilespmem:s10], [sflag:$0x1] =	stream.indirect_vreg.gather [hbm4b:s3+s2], $0x80, v3, vm0, $0xb8;
	[tilespmem:$0xC080] =	vst v63  }
0x27: {  	_ = 	snop  }
0x28: {  	[tilespmem:s11], [sflag:$0x1] =	stream.indirect_vreg.gather [hbm4b:s4+s2], $0x80, v3, vm0, $0xb8;
	[tilespmem:$0xC080] =	vst v63  }
0x29: {  	_ = 	snop  }
0x2a: {  	[tilespmem:s12], [sflag:$0x1] =	stream.indirect_vreg.gather [hbm4b:s5+s2], $0x80, v3, vm0, $0xb8;
	[tilespmem:$0xC080] =	vst v63  }
0x2b: {  	v3 =	vld [tilespmem:$0x10];
	_ =	sdelay $0x4  }
0x2c: {  	v61 =	vshrl.u32 v3, $0x3  }
0x2d: {  	v4 =	vmul.u32 $0x30, v61  }
0x2e: {  	v3 =	vand.u32 $0x7, v3  }
0x2f: {  	v3 =	vor.u32 v3, v4  }
0x30: {  	v4 =	vperm.xlane v3, v0;
	_ =	sdelay $0x1  }
0x31: {  	v4 =	vadd.s32 v1, v4;
	_ =	sdelay $0x3  }
0x32: {  	v3 =	vperm.xlane v3, v2  }
0x33: {  	[tilespmem:s13], [sflag:$0x1] =	stream.indirect_vreg.gather [hbm4b:s3+s2], $0x80, v4, vm0, $0xb8;
	[tilespmem:$0xC080] =	vst v63  }
0x34: {  	v3 =	vadd.s32 v1, v3  }
0x35: {  	[tilespmem:s14], [sflag:$0x1] =	stream.indirect_vreg.gather [hbm4b:s4+s2], $0x80, v4, vm0, $0xb8;
	[tilespmem:$0xC080] =	vst v63  }
0x36: {  	_ = 	snop  }
0x37: {  	[tilespmem:s15], [sflag:$0x1] =	stream.indirect_vreg.gather [hbm4b:s5+s2], $0x80, v4, vm0, $0xb8;
	[tilespmem:$0xC080] =	vst v63  }
0x38: {  	_ = 	snop  }
0x39: {  	[tilespmem:s16], [sflag:$0x1] =	stream.indirect_vreg.gather [hbm4b:s3+s2], $0x80, v3, vm0, $0xb8;
	[tilespmem:$0xC080] =	vst v63  }
0x3a: {  	_ = 	snop  }
0x3b: {  	[tilespmem:s17], [sflag:$0x1] =	stream.indirect_vreg.gather [hbm4b:s4+s2], $0x80, v3, vm0, $0xb8;
	[tilespmem:$0xC080] =	vst v63  }
0x3c: {  	_ = 	snop  }
0x3d: {  	[tilespmem:s18], [sflag:$0x1] =	stream.indirect_vreg.gather [hbm4b:s5+s2], $0x80, v3, vm0, $0xb8;
	[tilespmem:$0xC080] =	vst v63  }
0x3e: {  	v3 =	vld [tilespmem:$0x20];
	_ =	sdelay $0x4  }
0x3f: {  	v62 =	vshrl.u32 v3, $0x3  }
0x40: {  	v4 =	vmul.u32 $0x30, v62  }
0x41: {  	v3 =	vand.u32 $0x7, v3  }
0x42: {  	v3 =	vor.u32 v3, v4  }
0x43: {  	v4 =	vperm.xlane v3, v0;
	_ =	sdelay $0x1  }
0x44: {  	v4 =	vadd.s32 v1, v4;
	_ =	sdelay $0x3  }
0x45: {  	v3 =	vperm.xlane v3, v2  }
0x46: {  	[tilespmem:s19], [sflag:$0x1] =	stream.indirect_vreg.gather [hbm4b:s3+s2], $0x80, v4, vm0, $0xb8;
	[tilespmem:$0xC080] =	vst v63  }
0x47: {  	v3 =	vadd.s32 v1, v3  }
0x48: {  	[tilespmem:s20], [sflag:$0x1] =	stream.indirect_vreg.gather [hbm4b:s4+s2], $0x80, v4, vm0, $0xb8;
	[tilespmem:$0xC080] =	vst v63  }
0x49: {  	_ = 	snop  }
0x4a: {  	[tilespmem:s21], [sflag:$0x1] =	stream.indirect_vreg.gather [hbm4b:s5+s2], $0x80, v4, vm0, $0xb8;
	[tilespmem:$0xC080] =	vst v63  }
0x4b: {  	_ = 	snop  }
0x4c: {  	[tilespmem:s22], [sflag:$0x1] =	stream.indirect_vreg.gather [hbm4b:s3+s2], $0x80, v3, vm0, $0xb8;
	[tilespmem:$0xC080] =	vst v63  }
0x4d: {  	_ = 	snop  }
0x4e: {  	[tilespmem:s23], [sflag:$0x1] =	stream.indirect_vreg.gather [hbm4b:s4+s2], $0x80, v3, vm0, $0xb8;
	[tilespmem:$0xC080] =	vst v63  }
0x4f: {  	_ = 	snop  }
0x50: {  	[tilespmem:s24], [sflag:$0x1] =	stream.indirect_vreg.gather [hbm4b:s5+s2], $0x80, v3, vm0, $0xb8;
	[tilespmem:$0xC080] =	vst v63  }
0x51: {  	v3 =	vld [tilespmem:$0x30];
	_ =	sdelay $0x4  }
0x52: {  	v63 =	vshrl.u32 v3, $0x3  }
0x53: {  	v4 =	vmul.u32 $0x30, v63  }
0x54: {  	v3 =	vand.u32 $0x7, v3  }
0x55: {  	v3 =	vor.u32 v3, v4  }
0x56: {  	v4 =	vperm.xlane v3, v0;
	_ =	sdelay $0x1  }
0x57: {  	v4 =	vadd.s32 v1, v4;
	_ =	sdelay $0x3  }
0x58: {  	v3 =	vperm.xlane v3, v2  }
0x59: {  	[tilespmem:s25], [sflag:$0x1] =	stream.indirect_vreg.gather [hbm4b:s3+s2], $0x80, v4, vm0, $0xb8;
	[tilespmem:$0xC080] =	vst v63  }
0x5a: {  	v3 =	vadd.s32 v1, v3  }
0x5b: {  	[tilespmem:s26], [sflag:$0x1] =	stream.indirect_vreg.gather [hbm4b:s4+s2], $0x80, v4, vm0, $0xb8;
	[tilespmem:$0xC080] =	vst v63  }
0x5c: {  	_ = 	snop  }
0x5d: {  	[tilespmem:s28], [sflag:$0x1] =	stream.indirect_vreg.gather [hbm4b:s5+s2], $0x80, v4, vm0, $0xb8;
	[tilespmem:$0xC080] =	vst v63  }
0x5e: {  	_ = 	snop  }
0x5f: {  	[tilespmem:s29], [sflag:$0x1] =	stream.indirect_vreg.gather [hbm4b:s3+s2], $0x80, v3, vm0, $0xb8;
	[tilespmem:$0xC080] =	vst v63  }
0x60: {  	_ = 	snop  }
0x61: {  	[tilespmem:s30], [sflag:$0x1] =	stream.indirect_vreg.gather [hbm4b:s4+s2], $0x80, v3, vm0, $0xb8;
	[tilespmem:$0xC080] =	vst v63  }
0x62: {  	_ = 	snop  }
0x63: {  	[tilespmem:s31], [sflag:$0x1] =	stream.indirect_vreg.gather [hbm4b:s5+s2], $0x80, v3, vm0, $0xb8;
	[tilespmem:$0xC080] =	vst v63  }
0x64: {  	_ =	swait.ge [sflag:s0], $0xC000  }
0x65: {  	p0 =	sne.s32 s6, $0x1;
	[sflag:s0] =	ssyncset.done $0x0  }
.Ltmp0:
0x66: {  	s1 =	rddreg [dreg:$0x4];
	[sflag:s0] =	ssyncadd.s32 $0xFFFF4000;
	(pc) =	sbr.rel @p0 .LBB2_1-.Ltmp0, $4  }
0x67: {  	[hbm4b:s1+s2] =	stream.linear.scatter [tilespmem:s8], [sflag:$0x2], $0xC000, $0x38;
	[tilespmem:$0xC080] =	vst v63  }
0x68: {  	_ =	swait.ge [sflag:s7], $0xC000  }
0x69: {  	[sflag:s7] =	ssyncset.done $0x0  }
0x6a: {  	s6 =	sadd.s32 $0xFFFFFFFF, s6;
	[sflag:s7] =	ssyncadd.s32 $0xFFFF4000  }
0x6b: {  	_ =	sfence.sel $0x180000  }
0x6c: {  	[bflag:$0x0] =	sbarrier.arrive $0xFFFF  }
0x6d: {  	_ =	strace $0x9000004A  }
0x6e: {  	s0 =	stileid.u32;
	[bflag:$0x2] =	sbarrier.arrive $0xFFFF  }
0x6f: {  	p0 =	sne.s32 s0, $0x0;
	s0 =	rddreg [dreg:$0x2]  }
0x70: {  	s0 =	sadd.s32 @!p0 $0x100000, s0  }
0x71: {  	[sflag:s0] =	ssyncadd.tile.s32 @!p0 $0x1;
	_ =	shalt  }
.Lfunc_end2:
_tile_overlayer_lowered:
.L_overlay_start_2:
0x72: {  	(tag) =	ssettag $0x2  }
0x73: {  	s0 =	rddreg [dreg:$0x0];
	s2 =	stileid.u32  }
0x74: {  	s1 =	rddreg [dreg:$0x1];
	p0 =	sne.s32 s2, $0x0  }
0x75: {  	s3 =	rddreg [dreg:$0x2];
	[bflag:$0x3] =	sbarrier.arrive $0xFFFF;
	s2 =	simm.s32 @!p0 $0x1C02  }
0x76: {  	[timem:s3], [sflag:s2] =	dma.local @!p0 [hbm:s0], s1  }
0x77: {  	s0 =	simm.s32 @!p0 $0x2  }
0x78: {  	_ =	swait.ge @!p0 [sflag:s0], s1  }
0x79: {  	s1 =	ssub.s32 @!p0 $0x0, s1;
	[sflag:s0] =	ssyncset.done @!p0 $0x0  }
0x7a: {  	[sflag:s0] =	ssyncadd.s32 @!p0 s1  }
0x7b: {  	[bflag:$0x3] =	sbarrier.arrive $0xFFFF  }
0x7c: {  	_ =	shalt  }

</sc_bundles>
